<compile_context>
chip_gen: v7x
topology: tpu7x:2x2x1
jax: 0.10.2.dev20260603
libtpu: 0.0.44.dev20260713+nightly
codegen_flags: <defaults>
</compile_context>

<pallas_src>
import functools

import jax
import jax.numpy as jnp
from jax import lax
from jax.experimental import pallas as pl
from jax.experimental.pallas import tpu as pltpu
from jax.experimental.pallas import tpu_sc as plsc

_NC, _NSUB = 2, 16
_NW = _NC * _NSUB
_NSEG = 128
_OPAD = 64


def _sc_gather(table, idx):
    bb, ll = idx.shape
    d = table.shape[1]
    rows_per_w = (bb * ll) // _NW
    w_per_row = ll // rows_per_w
    mesh = plsc.VectorSubcoreMesh(core_axis_name="c", subcore_axis_name="s")
    nstream = 2
    chunk = rows_per_w // nstream

    @functools.partial(
        pl.kernel,
        mesh=mesh,
        out_type=jax.ShapeDtypeStruct((bb, ll, d), jnp.float32),
        scratch_types=(
            [pltpu.VMEM((rows_per_w,), jnp.int32),
             pltpu.VMEM((rows_per_w, d), jnp.float32)]
            + [pltpu.SemaphoreType.DMA] * (2 * nstream)
        ),
    )
    def gather_kernel(table_hbm, idx_hbm, out_hbm, idx_v, rows_v, *sems):
        wid = lax.axis_index("s") * _NC + lax.axis_index("c")
        row = wid // w_per_row
        col = (wid % w_per_row) * rows_per_w
        pltpu.sync_copy(idx_hbm.at[row, pl.ds(col, rows_per_w)], idx_v)
        gathers = []
        for i in range(nstream):
            gathers.append(pltpu.async_copy(
                table_hbm.at[idx_v.at[pl.ds(i * chunk, chunk)]],
                rows_v.at[pl.ds(i * chunk, chunk)], sems[i]))
        writes = []
        for i in range(nstream):
            gathers[i].wait()
            writes.append(pltpu.async_copy(
                rows_v.at[pl.ds(i * chunk, chunk)],
                out_hbm.at[row, pl.ds(col + i * chunk, chunk)],
                sems[nstream + i]))
        for wcp in writes:
            wcp.wait()

    return gather_kernel(table, idx)


def _tc_body(xa_ref, xb_ref, w_ref, b_ref, w2_ref, wid_ref,
             am_ref, bc_ref, o_ref, *, maxS, maxT, rows_per_step):
    ll = wid_ref.shape[-1]
    hh = xa_ref.shape[-1]
    nx = 2
    llc = ll // nx
    scores_h = []
    for x_ref in (xa_ref, xb_ref):
        x = x_ref[...].reshape(rows_per_step * llc, hh).astype(jnp.bfloat16)
        h = jnp.tanh(
            jnp.dot(x, w_ref[...], preferred_element_type=jnp.float32)
            + b_ref[...]
        )
        scores_h.append(lax.dot_general(
            h.astype(jnp.bfloat16), w2_ref[...],
            (((1,), (1,)), ((), ())), preferred_element_type=jnp.float32,
        ))
    lt = (
        lax.broadcasted_iota(jnp.int32, (ll, ll), 0)
        <= lax.broadcasted_iota(jnp.int32, (ll, ll), 1)
    ).astype(jnp.bfloat16)
    sid = lax.broadcasted_iota(jnp.int32, (_NSEG, ll), 0)
    e1 = (lax.broadcasted_iota(jnp.int32, (1, 2), 1) == 1).astype(jnp.float32)
    for r in range(rows_per_step):
        w_row = wid_ref[r]
        m_row = am_ref[r]
        valid = (m_row != 0) & (w_row != -1)
        prev = jnp.concatenate(
            [jnp.full((1, 1), -2, jnp.int32), w_row[:, : ll - 1]], axis=1
        )
        new = valid & ((prev < 0) | (w_row != prev))
        newf = new.astype(jnp.bfloat16)
        cums = jnp.dot(newf, lt, preferred_element_type=jnp.float32)
        seg = cums.astype(jnp.int32) - 1
        oneh = ((sid == seg) & valid).astype(jnp.bfloat16)
        counts = jnp.sum(oneh.astype(jnp.float32), axis=1, keepdims=True)
        pooled = sum(
            jnp.dot(
                oneh[:, c * llc : (c + 1) * llc],
                scores_h[c][r * llc : (r + 1) * llc].astype(jnp.bfloat16),
                preferred_element_type=jnp.float32,
            )
            for c in range(nx)
        )
        pooled = pooled / jnp.maximum(counts, 1.0)
        s = pooled[:maxS, 0:1]
        t = lax.dot_general(
            e1, pooled, (((1,), (1,)), ((), ())),
            preferred_element_type=jnp.float32,
        )
        o_ref[r, :, :] = jnp.pad(
            s + t[:, maxS : maxS + maxT] + bc_ref[0],
            ((0, _OPAD - maxS), (0, _OPAD - maxT)),
        )


def _tc_forward(x, w_enc, b_enc, w2, wid, am, b_cls, maxS, maxT):
    bb, ll, hh = x.shape
    rr = 2
    body = functools.partial(_tc_body, maxS=maxS, maxT=maxT, rows_per_step=rr)
    return pl.pallas_call(
        body,
        grid=(bb // rr,),
        in_specs=[
            pl.BlockSpec((rr, ll // 2, hh), lambda b: (b, 0, 0)),
            pl.BlockSpec((rr, ll // 2, hh), lambda b: (b, 1, 0)),
            pl.BlockSpec((hh, hh), lambda b: (0, 0)),
            pl.BlockSpec((1, hh), lambda b: (0, 0)),
            pl.BlockSpec((2, hh), lambda b: (0, 0)),
            pl.BlockSpec((rr, 1, ll), lambda b: (b, 0, 0)),
            pl.BlockSpec((rr, 1, ll), lambda b: (b, 0, 0)),
            pl.BlockSpec(memory_space=pltpu.SMEM),
        ],
        out_specs=pl.BlockSpec((rr, _OPAD, _OPAD), lambda b: (b, 0, 0)),
        out_shape=jax.ShapeDtypeStruct((bb, _OPAD, _OPAD), jnp.float32),
    )(x, x, w_enc, b_enc, w2, wid, am, b_cls)


def kernel(input_ids, attention_mask, source_word_ids, target_word_ids,
           emb_table, W_enc, b_enc, W_cls, b_cls):
    bb, ll = input_ids.shape
    hh = emb_table.shape[1]
    tpw = 4
    maxS = (source_word_ids.shape[1] - tpw) // tpw
    maxT = (target_word_ids.shape[1] - tpw) // tpw

    x = _sc_gather(emb_table.astype(jnp.float32), input_ids.astype(jnp.int32))

    wid = jnp.concatenate(
        [source_word_ids, target_word_ids], axis=1
    ).astype(jnp.int32).reshape(bb, 1, ll)
    am = attention_mask.astype(jnp.int32).reshape(bb, 1, ll)

    w2 = W_cls.astype(jnp.float32)[:, 0].reshape(2, hh).astype(jnp.bfloat16)

    out = _tc_forward(
        x,
        W_enc.astype(jnp.bfloat16),
        b_enc.reshape(1, hh).astype(jnp.float32),
        w2,
        wid,
        am,
        b_cls.astype(jnp.float32),
        maxS,
        maxT,
    )
    return out[:, :maxS, :maxT]

# --- scband reference (transcript-rebuilt; emitter-appended) ---
"""Pipeline reference for scband-binary-token-classification-model-54150947668678 (READ-ONLY COPY).

The authoritative reference and input builder live on the scoring server;
editing this copy changes nothing except your own understanding.
"""

import jax, jax.numpy as jnp
import numpy as np

B, L, H, V = 8, 512, 768, 50265


def setup_inputs(seed: int = 0) -> dict:
    key = jax.random.key(seed)
    ks = jax.random.split(key, 6)
    input_ids = jax.random.randint(ks[0], (B, L), 0, V)
    attention_mask = jnp.ones((B, L), dtype=jnp.int32)
    half = L // 2
    tpw = 4
    nwords = (half - tpw) // tpw  # 63
    wid = np.concatenate([np.repeat(np.arange(nwords, dtype=np.int32), tpw), -np.ones(tpw, dtype=np.int32)])
    source_word_ids = jnp.asarray(np.tile(wid, (B, 1)))
    target_word_ids = jnp.asarray(np.tile(wid, (B, 1)))
    emb_table = jax.random.normal(ks[1], (V, H), dtype=jnp.float32) * 0.02
    W_enc = jax.random.normal(ks[2], (H, H), dtype=jnp.float32) / np.sqrt(H)
    b_enc = jnp.zeros((H,), dtype=jnp.float32)
    W_cls = jax.random.normal(ks[3], (2 * H, 1), dtype=jnp.float32) / np.sqrt(2 * H)
    b_cls = jnp.zeros((1,), dtype=jnp.float32)
    return dict(input_ids=input_ids, attention_mask=attention_mask,
                source_word_ids=source_word_ids, target_word_ids=target_word_ids,
                emb_table=emb_table, W_enc=W_enc, b_enc=b_enc, W_cls=W_cls, b_cls=b_cls)


def _forward(input_ids, attention_mask, source_word_ids, target_word_ids, emb_table, W_enc, b_enc, W_cls, b_cls):
    # stub encoder: embedding lookup + linear + tanh (stands in for RoBERTa last_hidden_state)
    tok_h = jnp.tanh(jnp.take(emb_table, input_ids, axis=0) @ W_enc + b_enc)
    Bc, Lc, Hc = tok_h.shape
    combined = jnp.concatenate([source_word_ids, target_word_ids], axis=1)
    am = attention_mask.astype(bool)
    tpw = 4
    maxS = (source_word_ids.shape[1] - tpw) // tpw
    maxT = (target_word_ids.shape[1] - tpw) // tpw
    NS = maxS + maxT

    # _pool_word_embeddings: run-wise mean pooling over consecutive equal word ids
    def step(carry, x):
        cur, nseg = carry
        w, m = x
        valid = m & (w != -1)
        at_sep = m & (w == -1)
        new = valid & ((cur == -2) | (w != cur))
        nseg = nseg + new.astype(jnp.int32)
        seg = jnp.where(valid, nseg - 1, -1)
        cur = jnp.where(valid, w, jnp.where(at_sep, jnp.full_like(cur, -2), cur))
        return (cur, nseg), seg

    init = (jnp.full((Bc,), -2, dtype=combined.dtype), jnp.zeros((Bc,), dtype=jnp.int32))
    _, seg_t = jax.lax.scan(step, init, (combined.T, am.T))
    seg = seg_t.T
    valid = seg >= 0
    seg_idx = jnp.where(valid, seg, 0)

    def pool_row(tok_h_i, seg_i, valid_i):
        vals = tok_h_i * valid_i[:, None].astype(tok_h_i.dtype)
        sums = jax.ops.segment_sum(vals, seg_i, num_segments=NS)
        counts = jax.ops.segment_sum(valid_i.astype(jnp.float32), seg_i, num_segments=NS)
        return sums / jnp.maximum(counts, 1.0)[:, None]

    pooled = jax.vmap(pool_row)(tok_h, seg_idx, valid)
    # split_and_pad_src_tgt_words
    src = pooled[:, :maxS]
    tgt = pooled[:, maxS:maxS + maxT]
    src_exp = jnp.broadcast_to(src[:, :, None, :], (Bc, maxS, maxT, Hc))
    tgt_exp = jnp.broadcast_to(tgt[:, None, :, :], (Bc, maxS, maxT, Hc))
    pair = jnp.concatenate([src_exp, tgt_exp], axis=-1)
    # dropout is identity in eval mode
    logits = (pair @ W_cls + b_cls)[..., 0]
    return logits


def reference(input_ids, attention_mask, source_word_ids, target_word_ids, emb_table, W_enc, b_enc, W_cls, b_cls):
    return _forward(input_ids, attention_mask, source_word_ids, target_word_ids, emb_table, W_enc, b_enc, W_cls, b_cls)

if __name__ == "__main__":
    import jax
    _d = setup_inputs()
    print(jax.jit(kernel)(*tuple(_d.values())))

</pallas_src>

<mosaic_0001>
#map = affine_map<(d0, d1) -> (0, 0)>
#map1 = affine_map<(d0, d1) -> (0, 0, 0)>
module attributes {stable_mosaic.version = 14 : i64} {
  func.func @gather_kernel(%arg0: i32, %arg1: i32, %arg2: memref<50265x768xf32, #tpu.memory_space<hbm>>, %arg3: memref<8x512xi32, #tpu.memory_space<hbm>>, %arg4: memref<8x512x768xf32, #tpu.memory_space<hbm>>, %arg5: memref<128xi32, #tpu.memory_space<vmem>>, %arg6: memref<128x768xf32, #tpu.memory_space<vmem>>, %arg7: memref<!tpu.dma_semaphore, #tpu.memory_space<semaphore_mem>>, %arg8: memref<!tpu.dma_semaphore, #tpu.memory_space<semaphore_mem>>, %arg9: memref<!tpu.dma_semaphore, #tpu.memory_space<semaphore_mem>>, %arg10: memref<!tpu.dma_semaphore, #tpu.memory_space<semaphore_mem>>) attributes {dimension_semantics = [#tpu.dimension_semantics<core_parallel>, #tpu.dimension_semantics<subcore_parallel>], iteration_bounds = array<i64: 2, 16>, scalar_prefetch = 0 : i64, scratch_operands = 6 : i64, tpu.core_type = #tpu.core_type<sc_vector_subcore>, window_params = [{transform_indices = #map}, {transform_indices = #map}, {transform_indices = #map1}]} {
    %mul3A = arith.constant 2 : i32
    %mul3A_0 = arith.muli %arg1, %mul3A : i32
    %add3A = arith.addi %mul3A_0, %arg0 : i32
    %jit3A = arith.constant 4 : i32
    %div3A = arith.divsi %add3A, %jit3A : i32
    %sign3A = arith.constant 0 : i32
    %sign3A_1 = arith.cmpi sgt, %add3A, %sign3A : i32
    %sign3A_2 = arith.extui %sign3A_1 : i1 to i32
    %sign3A_3 = arith.constant 0 : i32
    %sign3A_4 = arith.cmpi slt, %add3A, %sign3A_3 : i32
    %sign3A_5 = arith.extui %sign3A_4 : i1 to i32
    %sign3A_6 = arith.subi %sign3A_2, %sign3A_5 : i32
    %sign3A_7 = arith.constant 0 : i32
    %sign3A_8 = arith.cmpi sgt, %jit3A, %sign3A_7 : i32
    %sign3A_9 = arith.extui %sign3A_8 : i1 to i32
    %sign3A_10 = arith.constant 0 : i32
    %sign3A_11 = arith.cmpi slt, %jit3A, %sign3A_10 : i32
    %sign3A_12 = arith.extui %sign3A_11 : i1 to i32
    %sign3A_13 = arith.subi %sign3A_9, %sign3A_12 : i32
    %ne3A = arith.cmpi ne, %sign3A_6, %sign3A_13 : i32
    %rem3A = arith.remsi %add3A, %jit3A : i32
    %ne3A_14 = arith.constant 0 : i32
    %ne3A_15 = arith.cmpi ne, %rem3A, %ne3A_14 : i32
    %and3A = arith.andi %ne3A, %ne3A_15 : i1
    %sub3A = arith.constant 1 : i32
    %sub3A_16 = arith.subi %div3A, %sub3A : i32
    %select_n3A = arith.select %and3A, %sub3A_16, %div3A : i32
    %jit3A_17 = arith.constant 4 : i32
    %eq3A = arith.constant 0 : i32
    %eq3A_18 = arith.cmpi eq, %jit3A_17, %eq3A : i32
    %jit3A_19 = arith.constant 1 : i32
    %select_n3A_20 = arith.select %eq3A_18, %jit3A_19, %jit3A_17 : i32
    %rem3A_21 = arith.remsi %add3A, %select_n3A_20 : i32
    %ne3A_22 = arith.constant 0 : i32
    %ne3A_23 = arith.cmpi ne, %rem3A_21, %ne3A_22 : i32
    %lt3A = arith.constant 0 : i32
    %lt3A_24 = arith.cmpi slt, %rem3A_21, %lt3A : i32
    %lt3A_25 = arith.constant 0 : i32
    %lt3A_26 = arith.cmpi slt, %select_n3A_20, %lt3A_25 : i32
    %ne3A_27 = arith.xori %lt3A_24, %lt3A_26 : i1
    %and3A_28 = arith.andi %ne3A_27, %ne3A_23 : i1
    %add3A_29 = arith.addi %rem3A_21, %select_n3A_20 : i32
    %select_n3A_30 = arith.select %and3A_28, %add3A_29, %rem3A_21 : i32
    %mul3A_31 = arith.constant 128 : i32
    %mul3A_32 = arith.muli %select_n3A_30, %mul3A_31 : i32
    "tpu.region"() ({
      %run_scoped3A = tpu.sem_alloc : memref<!tpu.dma_semaphore, #tpu.memory_space<semaphore_mem>>
      %dma_start3A_115 = tpu.memref_slice %arg3[%select_n3A, %mul3A_32] : memref<8x512xi32, #tpu.memory_space<hbm>> -> memref<1x128xi32, #tpu.memory_space<hbm>>
      %dma_start3A_116 = tpu.memref_squeeze %dma_start3A_115 : memref<1x128xi32, #tpu.memory_space<hbm>> -> memref<128xi32, #tpu.memory_space<hbm>>
      %dma_start3A_117 = tpu.memref_slice %arg3[%select_n3A, %mul3A_32] : memref<8x512xi32, #tpu.memory_space<hbm>> -> memref<1x128xi32, #tpu.memory_space<hbm>>
      %dma_start3A_118 = tpu.memref_squeeze %dma_start3A_117 : memref<1x128xi32, #tpu.memory_space<hbm>> -> memref<128xi32, #tpu.memory_space<hbm>>
      tpu.enqueue_dma source(%dma_start3A_118 : memref<128xi32, #tpu.memory_space<hbm>>) target(%arg5 : memref<128xi32, #tpu.memory_space<vmem>>) target_semaphore(%run_scoped3A : memref<!tpu.dma_semaphore, #tpu.memory_space<semaphore_mem>>)
      %dma_wait3A_119 = tpu.memref_slice %arg3[%select_n3A, %mul3A_32] : memref<8x512xi32, #tpu.memory_space<hbm>> -> memref<1x128xi32, #tpu.memory_space<hbm>>
      %dma_wait3A_120 = tpu.memref_squeeze %dma_wait3A_119 : memref<1x128xi32, #tpu.memory_space<hbm>> -> memref<128xi32, #tpu.memory_space<hbm>>
      %dma_wait3A_121 = tpu.memref_slice %arg3[%select_n3A, %mul3A_32] : memref<8x512xi32, #tpu.memory_space<hbm>> -> memref<1x128xi32, #tpu.memory_space<hbm>>
      %dma_wait3A_122 = tpu.memref_squeeze %dma_wait3A_121 : memref<1x128xi32, #tpu.memory_space<hbm>> -> memref<128xi32, #tpu.memory_space<hbm>>
      tpu.wait_dma2 semaphore(%run_scoped3A : memref<!tpu.dma_semaphore, #tpu.memory_space<semaphore_mem>>) src(%dma_wait3A_122 : memref<128xi32, #tpu.memory_space<hbm>>) dst(%arg5 : memref<128xi32, #tpu.memory_space<vmem>>)
      tpu.yield
    }) : () -> ()
    %dma_start3A = arith.constant 0 : i32
    %dma_start3A_33 = arith.constant 0 : i32
    %dma_start3A_34 = tpu.memref_slice %arg6[%dma_start3A, %dma_start3A_33] : memref<128x768xf32, #tpu.memory_space<vmem>> -> memref<64x768xf32, #tpu.memory_space<vmem>>
    %dma_start3A_35 = arith.constant 0 : i32
    %dma_start3A_36 = tpu.memref_slice %arg5[%dma_start3A_35] : memref<128xi32, #tpu.memory_space<vmem>> -> memref<64xi32, #tpu.memory_space<vmem>>
    %dma_start3A_37 = arith.constant 0 : i32
    %dma_start3A_38 = arith.constant 0 : i32
    %dma_start3A_39 = tpu.memref_slice %arg2[%dma_start3A_37, %dma_start3A_38] : memref<50265x768xf32, #tpu.memory_space<hbm>> -> memref<50265x768xf32, #tpu.memory_space<hbm>>
    tpu.enqueue_indirect_dma source(%dma_start3A_39 : memref<50265x768xf32, #tpu.memory_space<hbm>>) target(%dma_start3A_34 : memref<64x768xf32, #tpu.memory_space<vmem>>) offsets(%dma_start3A_36 : memref<64xi32, #tpu.memory_space<vmem>>) semaphore(%arg7 : memref<!tpu.dma_semaphore, #tpu.memory_space<semaphore_mem>>)
    %dma_start3A_40 = arith.constant 64 : i32
    %dma_start3A_41 = arith.constant 0 : i32
    %dma_start3A_42 = tpu.memref_slice %arg6[%dma_start3A_40, %dma_start3A_41] : memref<128x768xf32, #tpu.memory_space<vmem>> -> memref<64x768xf32, #tpu.memory_space<vmem>>
    %dma_start3A_43 = arith.constant 64 : i32
    %dma_start3A_44 = tpu.memref_slice %arg5[%dma_start3A_43] : memref<128xi32, #tpu.memory_space<vmem>> -> memref<64xi32, #tpu.memory_space<vmem>>
    %dma_start3A_45 = arith.constant 0 : i32
    %dma_start3A_46 = arith.constant 0 : i32
    %dma_start3A_47 = tpu.memref_slice %arg2[%dma_start3A_45, %dma_start3A_46] : memref<50265x768xf32, #tpu.memory_space<hbm>> -> memref<50265x768xf32, #tpu.memory_space<hbm>>
    tpu.enqueue_indirect_dma source(%dma_start3A_47 : memref<50265x768xf32, #tpu.memory_space<hbm>>) target(%dma_start3A_42 : memref<64x768xf32, #tpu.memory_space<vmem>>) offsets(%dma_start3A_44 : memref<64xi32, #tpu.memory_space<vmem>>) semaphore(%arg8 : memref<!tpu.dma_semaphore, #tpu.memory_space<semaphore_mem>>)
    %dma_wait3A = arith.constant 0 : i32
    %dma_wait3A_48 = arith.constant 0 : i32
    %dma_wait3A_49 = tpu.memref_slice %arg6[%dma_wait3A, %dma_wait3A_48] : memref<128x768xf32, #tpu.memory_space<vmem>> -> memref<64x768xf32, #tpu.memory_space<vmem>>
    %dma_wait3A_50 = arith.constant 0 : i32
    %dma_wait3A_51 = tpu.memref_slice %arg5[%dma_wait3A_50] : memref<128xi32, #tpu.memory_space<vmem>> -> memref<64xi32, #tpu.memory_space<vmem>>
    %dma_wait3A_52 = arith.constant 0 : i32
    %dma_wait3A_53 = arith.constant 0 : i32
    %dma_wait3A_54 = tpu.memref_slice %arg2[%dma_wait3A_52, %dma_wait3A_53] : memref<50265x768xf32, #tpu.memory_space<hbm>> -> memref<50265x768xf32, #tpu.memory_space<hbm>>
    tpu.wait_indirect_dma semaphore(%arg7 : memref<!tpu.dma_semaphore, #tpu.memory_space<semaphore_mem>>) src(%dma_wait3A_54 : memref<50265x768xf32, #tpu.memory_space<hbm>>) dst(%dma_wait3A_49 : memref<64x768xf32, #tpu.memory_space<vmem>>)
    %add3A_55 = arith.constant 0 : i32
    %add3A_56 = arith.addi %mul3A_32, %add3A_55 : i32
    %dma_start3A_57 = arith.constant 0 : i32
    %dma_start3A_58 = arith.constant 0 : i32
    %dma_start3A_59 = tpu.memref_slice %arg6[%dma_start3A_57, %dma_start3A_58] : memref<128x768xf32, #tpu.memory_space<vmem>> -> memref<64x768xf32, #tpu.memory_space<vmem>>
    %dma_start3A_60 = arith.constant 0 : i32
    %dma_start3A_61 = tpu.memref_slice %arg4[%select_n3A, %add3A_56, %dma_start3A_60] : memref<8x512x768xf32, #tpu.memory_space<hbm>> -> memref<1x64x768xf32, #tpu.memory_space<hbm>>
    %dma_start3A_62 = tpu.memref_squeeze %dma_start3A_61 : memref<1x64x768xf32, #tpu.memory_space<hbm>> -> memref<64x768xf32, #tpu.memory_space<hbm>>
    %dma_start3A_63 = arith.constant 0 : i32
    %dma_start3A_64 = tpu.memref_slice %arg4[%select_n3A, %add3A_56, %dma_start3A_63] : memref<8x512x768xf32, #tpu.memory_space<hbm>> -> memref<1x64x768xf32, #tpu.memory_space<hbm>>
    %dma_start3A_65 = tpu.memref_squeeze %dma_start3A_64 : memref<1x64x768xf32, #tpu.memory_space<hbm>> -> memref<64x768xf32, #tpu.memory_space<hbm>>
    %dma_start3A_66 = arith.constant 0 : i32
    %dma_start3A_67 = arith.constant 0 : i32
    %dma_start3A_68 = tpu.memref_slice %arg6[%dma_start3A_66, %dma_start3A_67] : memref<128x768xf32, #tpu.memory_space<vmem>> -> memref<64x768xf32, #tpu.memory_space<vmem>>
    tpu.enqueue_dma source(%dma_start3A_68 : memref<64x768xf32, #tpu.memory_space<vmem>>) target(%dma_start3A_65 : memref<64x768xf32, #tpu.memory_space<hbm>>) target_semaphore(%arg9 : memref<!tpu.dma_semaphore, #tpu.memory_space<semaphore_mem>>)
    %dma_wait3A_69 = arith.constant 64 : i32
    %dma_wait3A_70 = arith.constant 0 : i32
    %dma_wait3A_71 = tpu.memref_slice %arg6[%dma_wait3A_69, %dma_wait3A_70] : memref<128x768xf32, #tpu.memory_space<vmem>> -> memref<64x768xf32, #tpu.memory_space<vmem>>
    %dma_wait3A_72 = arith.constant 64 : i32
    %dma_wait3A_73 = tpu.memref_slice %arg5[%dma_wait3A_72] : memref<128xi32, #tpu.memory_space<vmem>> -> memref<64xi32, #tpu.memory_space<vmem>>
    %dma_wait3A_74 = arith.constant 0 : i32
    %dma_wait3A_75 = arith.constant 0 : i32
    %dma_wait3A_76 = tpu.memref_slice %arg2[%dma_wait3A_74, %dma_wait3A_75] : memref<50265x768xf32, #tpu.memory_space<hbm>> -> memref<50265x768xf32, #tpu.memory_space<hbm>>
    tpu.wait_indirect_dma semaphore(%arg8 : memref<!tpu.dma_semaphore, #tpu.memory_space<semaphore_mem>>) src(%dma_wait3A_76 : memref<50265x768xf32, #tpu.memory_space<hbm>>) dst(%dma_wait3A_71 : memref<64x768xf32, #tpu.memory_space<vmem>>)
    %add3A_77 = arith.constant 64 : i32
    %add3A_78 = arith.addi %mul3A_32, %add3A_77 : i32
    %dma_start3A_79 = arith.constant 64 : i32
    %dma_start3A_80 = arith.constant 0 : i32
    %dma_start3A_81 = tpu.memref_slice %arg6[%dma_start3A_79, %dma_start3A_80] : memref<128x768xf32, #tpu.memory_space<vmem>> -> memref<64x768xf32, #tpu.memory_space<vmem>>
    %dma_start3A_82 = arith.constant 0 : i32
    %dma_start3A_83 = tpu.memref_slice %arg4[%select_n3A, %add3A_78, %dma_start3A_82] : memref<8x512x768xf32, #tpu.memory_space<hbm>> -> memref<1x64x768xf32, #tpu.memory_space<hbm>>
    %dma_start3A_84 = tpu.memref_squeeze %dma_start3A_83 : memref<1x64x768xf32, #tpu.memory_space<hbm>> -> memref<64x768xf32, #tpu.memory_space<hbm>>
    %dma_start3A_85 = arith.constant 0 : i32
    %dma_start3A_86 = tpu.memref_slice %arg4[%select_n3A, %add3A_78, %dma_start3A_85] : memref<8x512x768xf32, #tpu.memory_space<hbm>> -> memref<1x64x768xf32, #tpu.memory_space<hbm>>
    %dma_start3A_87 = tpu.memref_squeeze %dma_start3A_86 : memref<1x64x768xf32, #tpu.memory_space<hbm>> -> memref<64x768xf32, #tpu.memory_space<hbm>>
    %dma_start3A_88 = arith.constant 64 : i32
    %dma_start3A_89 = arith.constant 0 : i32
    %dma_start3A_90 = tpu.memref_slice %arg6[%dma_start3A_88, %dma_start3A_89] : memref<128x768xf32, #tpu.memory_space<vmem>> -> memref<64x768xf32, #tpu.memory_space<vmem>>
    tpu.enqueue_dma source(%dma_start3A_90 : memref<64x768xf32, #tpu.memory_space<vmem>>) target(%dma_start3A_87 : memref<64x768xf32, #tpu.memory_space<hbm>>) target_semaphore(%arg10 : memref<!tpu.dma_semaphore, #tpu.memory_space<semaphore_mem>>)
    %dma_wait3A_91 = arith.constant 0 : i32
    %dma_wait3A_92 = arith.constant 0 : i32
    %dma_wait3A_93 = tpu.memref_slice %arg6[%dma_wait3A_91, %dma_wait3A_92] : memref<128x768xf32, #tpu.memory_space<vmem>> -> memref<64x768xf32, #tpu.memory_space<vmem>>
    %dma_wait3A_94 = arith.constant 0 : i32
    %dma_wait3A_95 = tpu.memref_slice %arg4[%select_n3A, %add3A_56, %dma_wait3A_94] : memref<8x512x768xf32, #tpu.memory_space<hbm>> -> memref<1x64x768xf32, #tpu.memory_space<hbm>>
    %dma_wait3A_96 = tpu.memref_squeeze %dma_wait3A_95 : memref<1x64x768xf32, #tpu.memory_space<hbm>> -> memref<64x768xf32, #tpu.memory_space<hbm>>
    %dma_wait3A_97 = arith.constant 0 : i32
    %dma_wait3A_98 = tpu.memref_slice %arg4[%select_n3A, %add3A_56, %dma_wait3A_97] : memref<8x512x768xf32, #tpu.memory_space<hbm>> -> memref<1x64x768xf32, #tpu.memory_space<hbm>>
    %dma_wait3A_99 = tpu.memref_squeeze %dma_wait3A_98 : memref<1x64x768xf32, #tpu.memory_space<hbm>> -> memref<64x768xf32, #tpu.memory_space<hbm>>
    %dma_wait3A_100 = arith.constant 0 : i32
    %dma_wait3A_101 = arith.constant 0 : i32
    %dma_wait3A_102 = tpu.memref_slice %arg6[%dma_wait3A_100, %dma_wait3A_101] : memref<128x768xf32, #tpu.memory_space<vmem>> -> memref<64x768xf32, #tpu.memory_space<vmem>>
    tpu.wait_dma2 semaphore(%arg9 : memref<!tpu.dma_semaphore, #tpu.memory_space<semaphore_mem>>) src(%dma_wait3A_102 : memref<64x768xf32, #tpu.memory_space<vmem>>) dst(%dma_wait3A_99 : memref<64x768xf32, #tpu.memory_space<hbm>>)
    %dma_wait3A_103 = arith.constant 64 : i32
    %dma_wait3A_104 = arith.constant 0 : i32
    %dma_wait3A_105 = tpu.memref_slice %arg6[%dma_wait3A_103, %dma_wait3A_104] : memref<128x768xf32, #tpu.memory_space<vmem>> -> memref<64x768xf32, #tpu.memory_space<vmem>>
    %dma_wait3A_106 = arith.constant 0 : i32
    %dma_wait3A_107 = tpu.memref_slice %arg4[%select_n3A, %add3A_78, %dma_wait3A_106] : memref<8x512x768xf32, #tpu.memory_space<hbm>> -> memref<1x64x768xf32, #tpu.memory_space<hbm>>
    %dma_wait3A_108 = tpu.memref_squeeze %dma_wait3A_107 : memref<1x64x768xf32, #tpu.memory_space<hbm>> -> memref<64x768xf32, #tpu.memory_space<hbm>>
    %dma_wait3A_109 = arith.constant 0 : i32
    %dma_wait3A_110 = tpu.memref_slice %arg4[%select_n3A, %add3A_78, %dma_wait3A_109] : memref<8x512x768xf32, #tpu.memory_space<hbm>> -> memref<1x64x768xf32, #tpu.memory_space<hbm>>
    %dma_wait3A_111 = tpu.memref_squeeze %dma_wait3A_110 : memref<1x64x768xf32, #tpu.memory_space<hbm>> -> memref<64x768xf32, #tpu.memory_space<hbm>>
    %dma_wait3A_112 = arith.constant 64 : i32
    %dma_wait3A_113 = arith.constant 0 : i32
    %dma_wait3A_114 = tpu.memref_slice %arg6[%dma_wait3A_112, %dma_wait3A_113] : memref<128x768xf32, #tpu.memory_space<vmem>> -> memref<64x768xf32, #tpu.memory_space<vmem>>
    tpu.wait_dma2 semaphore(%arg10 : memref<!tpu.dma_semaphore, #tpu.memory_space<semaphore_mem>>) src(%dma_wait3A_114 : memref<64x768xf32, #tpu.memory_space<vmem>>) dst(%dma_wait3A_111 : memref<64x768xf32, #tpu.memory_space<hbm>>)
    return
  }
}

module attributes {stable_mosaic.version = 14 : i64} {
  func.func @_tc_body(%arg0: i32, %arg1: memref<2x256x768xf32, #tpu.memory_space<vmem>>, %arg2: memref<2x256x768xf32, #tpu.memory_space<vmem>>, %arg3: memref<768x768xbf16, #tpu.memory_space<vmem>>, %arg4: memref<1x768xf32, #tpu.memory_space<vmem>>, %arg5: memref<2x768xbf16, #tpu.memory_space<vmem>>, %arg6: memref<2x1x512xi32, #tpu.memory_space<vmem>>, %arg7: memref<2x1x512xi32, #tpu.memory_space<vmem>>, %arg8: memref<1xf32, #tpu.memory_space<smem>>, %arg9: memref<2x64x64xf32, #tpu.memory_space<vmem>>) attributes {dimension_semantics = [#tpu.dimension_semantics<arbitrary>], iteration_bounds = array<i64: 4>, scalar_prefetch = 0 : i64, scratch_operands = 0 : i64, tpu.core_type = #tpu.core_type<tc>, window_params = [{transform_indices = @transform_0, window_bounds = array<i64: 2, 256, 768>}, {transform_indices = @transform_1, window_bounds = array<i64: 2, 256, 768>}, {pipeline_mode = #tpu.pipeline_mode<synchronous>, transform_indices = @transform_2, window_bounds = array<i64: 768, 768>}, {pipeline_mode = #tpu.pipeline_mode<synchronous>, transform_indices = @transform_3, window_bounds = array<i64: 1, 768>}, {pipeline_mode = #tpu.pipeline_mode<synchronous>, transform_indices = @transform_4, window_bounds = array<i64: 2, 768>}, {transform_indices = @transform_5, window_bounds = array<i64: 2, 1, 512>}, {transform_indices = @transform_6, window_bounds = array<i64: 2, 1, 512>}, {transform_indices = @transform_7, window_bounds = array<i64: 1>}, {transform_indices = @transform_8, window_bounds = array<i64: 2, 64, 64>}]} {
    %get3A = arith.constant 0 : index
    %get3A_0 = arith.constant 0 : index
    %get3A_1 = arith.constant 0 : index
    %get3A_2 = vector.load %arg1[%get3A, %get3A_0, %get3A_1] : memref<2x256x768xf32, #tpu.memory_space<vmem>>, vector<2x256x768xf32>
    %reshape3A = vector.shape_cast %get3A_2 : vector<2x256x768xf32> to vector<512x768xf32>
    %convert_element_type3A = arith.truncf %reshape3A : vector<512x768xf32> to vector<512x768xbf16>
    %get3A_3 = arith.constant 0 : index
    %get3A_4 = arith.constant 0 : index
    %get3A_5 = vector.load %arg3[%get3A_3, %get3A_4] : memref<768x768xbf16, #tpu.memory_space<vmem>>, vector<768x768xbf16>
    %dot_general3A = arith.constant dense<0.000000e+00> : vector<512x768xf32>
    %dot_general3A_6 = tpu.matmul %convert_element_type3A, %get3A_5, %dot_general3A {dimension_numbers = #tpu.dot_dimension_numbers<[1], [0], [0], [1], [0, 0, 1, 1], [], []>, transpose_lhs_hint = false} : vector<512x768xbf16>, vector<768x768xbf16>, vector<512x768xf32> -> vector<512x768xf32>
    %get3A_7 = arith.constant 0 : index
    %get3A_8 = arith.constant 0 : index
    %get3A_9 = vector.load %arg4[%get3A_7, %get3A_8] : memref<1x768xf32, #tpu.memory_space<vmem>>, vector<1x768xf32>
    %add3A = vector.broadcast %get3A_9 : vector<1x768xf32> to vector<512x768xf32>
    %add3A_10 = arith.addf %dot_general3A_6, %add3A : vector<512x768xf32>
    %tanh3A = math.tanh %add3A_10 : vector<512x768xf32>
    %convert_element_type3A_11 = arith.truncf %tanh3A : vector<512x768xf32> to vector<512x768xbf16>
    %get3A_12 = arith.constant 0 : index
    %get3A_13 = arith.constant 0 : index
    %get3A_14 = vector.load %arg5[%get3A_12, %get3A_13] : memref<2x768xbf16, #tpu.memory_space<vmem>>, vector<2x768xbf16>
    %dot_general3A_15 = arith.constant dense<0.000000e+00> : vector<512x2xf32>
    %dot_general3A_16 = tpu.matmul %convert_element_type3A_11, %get3A_14, %dot_general3A_15 {dimension_numbers = #tpu.dot_dimension_numbers<[1], [1], [0], [0], [0, 0, 1, 0], [], []>, transpose_lhs_hint = false} : vector<512x768xbf16>, vector<2x768xbf16>, vector<512x2xf32> -> vector<512x2xf32>
    %get3A_17 = arith.constant 0 : index
    %get3A_18 = arith.constant 0 : index
    %get3A_19 = arith.constant 0 : index
    %get3A_20 = vector.load %arg2[%get3A_17, %get3A_18, %get3A_19] : memref<2x256x768xf32, #tpu.memory_space<vmem>>, vector<2x256x768xf32>
    %reshape3A_21 = vector.shape_cast %get3A_20 : vector<2x256x768xf32> to vector<512x768xf32>
    %convert_element_type3A_22 = arith.truncf %reshape3A_21 : vector<512x768xf32> to vector<512x768xbf16>
    %get3A_23 = arith.constant 0 : index
    %get3A_24 = arith.constant 0 : index
    %get3A_25 = vector.load %arg3[%get3A_23, %get3A_24] : memref<768x768xbf16, #tpu.memory_space<vmem>>, vector<768x768xbf16>
    %dot_general3A_26 = arith.constant dense<0.000000e+00> : vector<512x768xf32>
    %dot_general3A_27 = tpu.matmul %convert_element_type3A_22, %get3A_25, %dot_general3A_26 {dimension_numbers = #tpu.dot_dimension_numbers<[1], [0], [0], [1], [0, 0, 1, 1], [], []>, transpose_lhs_hint = false} : vector<512x768xbf16>, vector<768x768xbf16>, vector<512x768xf32> -> vector<512x768xf32>
    %get3A_28 = arith.constant 0 : index
    %get3A_29 = arith.constant 0 : index
    %get3A_30 = vector.load %arg4[%get3A_28, %get3A_29] : memref<1x768xf32, #tpu.memory_space<vmem>>, vector<1x768xf32>
    %add3A_31 = vector.broadcast %get3A_30 : vector<1x768xf32> to vector<512x768xf32>
    %add3A_32 = arith.addf %dot_general3A_27, %add3A_31 : vector<512x768xf32>
    %tanh3A_33 = math.tanh %add3A_32 : vector<512x768xf32>
    %convert_element_type3A_34 = arith.truncf %tanh3A_33 : vector<512x768xf32> to vector<512x768xbf16>
    %get3A_35 = arith.constant 0 : index
    %get3A_36 = arith.constant 0 : index
    %get3A_37 = vector.load %arg5[%get3A_35, %get3A_36] : memref<2x768xbf16, #tpu.memory_space<vmem>>, vector<2x768xbf16>
    %dot_general3A_38 = arith.constant dense<0.000000e+00> : vector<512x2xf32>
    %dot_general3A_39 = tpu.matmul %convert_element_type3A_34, %get3A_37, %dot_general3A_38 {dimension_numbers = #tpu.dot_dimension_numbers<[1], [1], [0], [0], [0, 0, 1, 0], [], []>, transpose_lhs_hint = false} : vector<512x768xbf16>, vector<2x768xbf16>, vector<512x2xf32> -> vector<512x2xf32>
    %iota3A = tpu.iota {dimensions = array<i32: 0>} : vector<512x512xi32>
    %iota3A_40 = tpu.iota {dimensions = array<i32: 1>} : vector<512x512xi32>
    %le3A = arith.cmpi sle, %iota3A, %iota3A_40 : vector<512x512xi32>
    %convert_element_type3A_41 = arith.extui %le3A : vector<512x512xi1> to vector<512x512xi32>
    %convert_element_type3A_42 = arith.sitofp %convert_element_type3A_41 : vector<512x512xi32> to vector<512x512xf32>
    %convert_element_type3A_43 = arith.truncf %convert_element_type3A_42 : vector<512x512xf32> to vector<512x512xbf16>
    %iota3A_44 = tpu.iota {dimensions = array<i32: 0>} : vector<128x512xi32>
    %iota3A_45 = tpu.iota {dimensions = array<i32: 1>} : vector<1x2xi32>
    %eq3A = arith.constant 1 : i32
    %eq3A_46 = vector.broadcast %eq3A : i32 to vector<1x2xi32>
    %eq3A_47 = arith.cmpi eq, %iota3A_45, %eq3A_46 : vector<1x2xi32>
    %convert_element_type3A_48 = arith.extui %eq3A_47 : vector<1x2xi1> to vector<1x2xi32>
    %convert_element_type3A_49 = arith.sitofp %convert_element_type3A_48 : vector<1x2xi32> to vector<1x2xf32>
    %get3A_50 = arith.constant 0 : index
    %get3A_51 = arith.constant 0 : index
    %get3A_52 = arith.constant 0 : index
    %get3A_53 = vector.load %arg6[%get3A_50, %get3A_51, %get3A_52] : memref<2x1x512xi32, #tpu.memory_space<vmem>>, vector<1x1x512xi32>
    %get3A_54 = vector.shape_cast %get3A_53 : vector<1x1x512xi32> to vector<1x512xi32>
    %get3A_55 = arith.constant 0 : index
    %get3A_56 = arith.constant 0 : index
    %get3A_57 = arith.constant 0 : index
    %get3A_58 = vector.load %arg7[%get3A_55, %get3A_56, %get3A_57] : memref<2x1x512xi32, #tpu.memory_space<vmem>>, vector<1x1x512xi32>
    %get3A_59 = vector.shape_cast %get3A_58 : vector<1x1x512xi32> to vector<1x512xi32>
    %ne3A = arith.constant 0 : i32
    %ne3A_60 = vector.broadcast %ne3A : i32 to vector<1x512xi32>
    %ne3A_61 = arith.cmpi ne, %get3A_59, %ne3A_60 : vector<1x512xi32>
    %ne3A_62 = arith.constant -1 : i32
    %ne3A_63 = vector.broadcast %ne3A_62 : i32 to vector<1x512xi32>
    %ne3A_64 = arith.cmpi ne, %get3A_54, %ne3A_63 : vector<1x512xi32>
    %and3A = arith.andi %ne3A_61, %ne3A_64 : vector<1x512xi1>
    %broadcast_in_dim3A = arith.constant -2 : i32
    %broadcast_in_dim3A_65 = vector.broadcast %broadcast_in_dim3A : i32 to vector<1x1xi32>
    %slice3A = vector.extract_strided_slice %get3A_54 {offsets = [0, 0], sizes = [1, 511], strides = [1, 1]} : vector<1x512xi32> to vector<1x511xi32>
    %concatenate3A = tpu.concatenate %broadcast_in_dim3A_65, %slice3A in 1 : vector<1x1xi32>, vector<1x511xi32> -> vector<1x512xi32>
    %lt3A = arith.constant 0 : i32
    %lt3A_66 = vector.broadcast %lt3A : i32 to vector<1x512xi32>
    %lt3A_67 = arith.cmpi slt, %concatenate3A, %lt3A_66 : vector<1x512xi32>
    %ne3A_68 = arith.cmpi ne, %get3A_54, %concatenate3A : vector<1x512xi32>
    %or3A = arith.ori %lt3A_67, %ne3A_68 : vector<1x512xi1>
    %and3A_69 = arith.andi %and3A, %or3A : vector<1x512xi1>
    %convert_element_type3A_70 = arith.extui %and3A_69 : vector<1x512xi1> to vector<1x512xi32>
    %convert_element_type3A_71 = arith.sitofp %convert_element_type3A_70 : vector<1x512xi32> to vector<1x512xf32>
    %convert_element_type3A_72 = arith.truncf %convert_element_type3A_71 : vector<1x512xf32> to vector<1x512xbf16>
    %dot_general3A_73 = arith.constant dense<0.000000e+00> : vector<1x512xf32>
    %dot_general3A_74 = tpu.matmul %convert_element_type3A_72, %convert_element_type3A_43, %dot_general3A_73 {dimension_numbers = #tpu.dot_dimension_numbers<[1], [0], [0], [1], [0, 0, 1, 1], [], []>, transpose_lhs_hint = false} : vector<1x512xbf16>, vector<512x512xbf16>, vector<1x512xf32> -> vector<1x512xf32>
    %convert_element_type3A_75 = arith.fptosi %dot_general3A_74 : vector<1x512xf32> to vector<1x512xi32>
    %sub3A = arith.constant 1 : i32
    %sub3A_76 = vector.broadcast %sub3A : i32 to vector<1x512xi32>
    %sub3A_77 = arith.subi %convert_element_type3A_75, %sub3A_76 : vector<1x512xi32>
    %eq3A_78 = vector.broadcast %sub3A_77 : vector<1x512xi32> to vector<128x512xi32>
    %eq3A_79 = arith.cmpi eq, %iota3A_44, %eq3A_78 : vector<128x512xi32>
    %and3A_80 = vector.broadcast %and3A : vector<1x512xi1> to vector<128x512xi1>
    %and3A_81 = arith.andi %eq3A_79, %and3A_80 : vector<128x512xi1>
    %convert_element_type3A_82 = arith.extui %and3A_81 : vector<128x512xi1> to vector<128x512xi32>
    %convert_element_type3A_83 = arith.sitofp %convert_element_type3A_82 : vector<128x512xi32> to vector<128x512xf32>
    %convert_element_type3A_84 = arith.truncf %convert_element_type3A_83 : vector<128x512xf32> to vector<128x512xbf16>
    %convert_element_type3A_85 = arith.extf %convert_element_type3A_84 : vector<128x512xbf16> to vector<128x512xf32>
    %reduce_sum3A = arith.constant dense<0.000000e+00> : vector<128xf32>
    %reduce_sum3A_86 = vector.multi_reduction <add>, %convert_element_type3A_85, %reduce_sum3A [1] : vector<128x512xf32> to vector<128xf32>
    %broadcast_in_dim3A_87 = vector.shape_cast %reduce_sum3A_86 : vector<128xf32> to vector<128x1xf32>
    %slice3A_88 = vector.extract_strided_slice %convert_element_type3A_84 {offsets = [0, 0], sizes = [128, 256], strides = [1, 1]} : vector<128x512xbf16> to vector<128x256xbf16>
    %slice3A_89 = vector.extract_strided_slice %dot_general3A_16 {offsets = [0, 0], sizes = [256, 2], strides = [1, 1]} : vector<512x2xf32> to vector<256x2xf32>
    %convert_element_type3A_90 = arith.truncf %slice3A_89 : vector<256x2xf32> to vector<256x2xbf16>
    %dot_general3A_91 = arith.constant dense<0.000000e+00> : vector<128x2xf32>
    %dot_general3A_92 = tpu.matmul %slice3A_88, %convert_element_type3A_90, %dot_general3A_91 {dimension_numbers = #tpu.dot_dimension_numbers<[1], [0], [0], [1], [0, 0, 1, 1], [], []>, transpose_lhs_hint = false} : vector<128x256xbf16>, vector<256x2xbf16>, vector<128x2xf32> -> vector<128x2xf32>
    %add3A_93 = arith.constant 0.000000e+00 : f32
    %add3A_94 = vector.broadcast %add3A_93 : f32 to vector<128x2xf32>
    %add3A_95 = arith.addf %add3A_94, %dot_general3A_92 : vector<128x2xf32>
    %slice3A_96 = vector.extract_strided_slice %convert_element_type3A_84 {offsets = [0, 256], sizes = [128, 256], strides = [1, 1]} : vector<128x512xbf16> to vector<128x256xbf16>
    %slice3A_97 = vector.extract_strided_slice %dot_general3A_39 {offsets = [0, 0], sizes = [256, 2], strides = [1, 1]} : vector<512x2xf32> to vector<256x2xf32>
    %convert_element_type3A_98 = arith.truncf %slice3A_97 : vector<256x2xf32> to vector<256x2xbf16>
    %dot_general3A_99 = arith.constant dense<0.000000e+00> : vector<128x2xf32>
    %dot_general3A_100 = tpu.matmul %slice3A_96, %convert_element_type3A_98, %dot_general3A_99 {dimension_numbers = #tpu.dot_dimension_numbers<[1], [0], [0], [1], [0, 0, 1, 1], [], []>, transpose_lhs_hint = false} : vector<128x256xbf16>, vector<256x2xbf16>, vector<128x2xf32> -> vector<128x2xf32>
    %add3A_101 = arith.addf %add3A_95, %dot_general3A_100 : vector<128x2xf32>
    %max3A = arith.constant 1.000000e+00 : f32
    %max3A_102 = vector.broadcast %max3A : f32 to vector<128x1xf32>
    %max3A_103 = arith.maximumf %broadcast_in_dim3A_87, %max3A_102 : vector<128x1xf32>
    %div3A = vector.broadcast %max3A_103 : vector<128x1xf32> to vector<128x2xf32>
    %div3A_104 = arith.divf %add3A_101, %div3A : vector<128x2xf32>
    %slice3A_105 = vector.extract_strided_slice %div3A_104 {offsets = [0, 0], sizes = [63, 1], strides = [1, 1]} : vector<128x2xf32> to vector<63x1xf32>
    %dot_general3A_106 = arith.constant dense<0.000000e+00> : vector<1x128xf32>
    %dot_general3A_107 = tpu.matmul %convert_element_type3A_49, %div3A_104, %dot_general3A_106 {dimension_numbers = #tpu.dot_dimension_numbers<[1], [1], [0], [0], [0, 0, 1, 0], [], []>, transpose_lhs_hint = false} : vector<1x2xf32>, vector<128x2xf32>, vector<1x128xf32> -> vector<1x128xf32>
    %slice3A_108 = vector.extract_strided_slice %dot_general3A_107 {offsets = [0, 63], sizes = [1, 63], strides = [1, 1]} : vector<1x128xf32> to vector<1x63xf32>
    %add3A_109 = vector.broadcast %slice3A_105 : vector<63x1xf32> to vector<63x63xf32>
    %add3A_110 = vector.broadcast %slice3A_108 : vector<1x63xf32> to vector<63x63xf32>
    %add3A_111 = arith.addf %add3A_109, %add3A_110 : vector<63x63xf32>
    %get3A_112 = arith.constant 0 : index
    %get3A_113 = memref.load %arg8[%get3A_112] : memref<1xf32, #tpu.memory_space<smem>>
    %add3A_114 = vector.broadcast %get3A_113 : f32 to vector<63x63xf32>
    %add3A_115 = arith.addf %add3A_111, %add3A_114 : vector<63x63xf32>
    %jit3A = arith.constant 0 : i32
    %convert_element_type3A_116 = arith.sitofp %jit3A : i32 to f32
    %pad3A = vector.broadcast %convert_element_type3A_116 : f32 to vector<1x63xf32>
    %pad3A_117 = tpu.concatenate %add3A_115, %pad3A in 0 : vector<63x63xf32>, vector<1x63xf32> -> vector<64x63xf32>
    %pad3A_118 = vector.broadcast %convert_element_type3A_116 : f32 to vector<64x1xf32>
    %pad3A_119 = tpu.concatenate %pad3A_117, %pad3A_118 in 1 : vector<64x63xf32>, vector<64x1xf32> -> vector<64x64xf32>
    %swap3A = arith.constant 0 : index
    %swap3A_120 = arith.constant 0 : index
    %swap3A_121 = arith.constant 0 : index
    %swap3A_122 = vector.load %arg9[%swap3A, %swap3A_120, %swap3A_121] : memref<2x64x64xf32, #tpu.memory_space<vmem>>, vector<1x64x64xf32>
    %swap3A_123 = vector.shape_cast %swap3A_122 : vector<1x64x64xf32> to vector<64x64xf32>
    %swap3A_124 = vector.shape_cast %pad3A_119 : vector<64x64xf32> to vector<1x64x64xf32>
    tpu.vector_store %arg9[%swap3A, %swap3A_120, %swap3A_121], %swap3A_124 {strides = array<i32>} : memref<2x64x64xf32, #tpu.memory_space<vmem>>, vector<1x64x64xf32>,
    %get3A_125 = arith.constant 1 : index
    %get3A_126 = arith.constant 0 : index
    %get3A_127 = arith.constant 0 : index
    %get3A_128 = vector.load %arg6[%get3A_125, %get3A_126, %get3A_127] : memref<2x1x512xi32, #tpu.memory_space<vmem>>, vector<1x1x512xi32>
    %get3A_129 = vector.shape_cast %get3A_128 : vector<1x1x512xi32> to vector<1x512xi32>
    %get3A_130 = arith.constant 1 : index
    %get3A_131 = arith.constant 0 : index
    %get3A_132 = arith.constant 0 : index
    %get3A_133 = vector.load %arg7[%get3A_130, %get3A_131, %get3A_132] : memref<2x1x512xi32, #tpu.memory_space<vmem>>, vector<1x1x512xi32>
    %get3A_134 = vector.shape_cast %get3A_133 : vector<1x1x512xi32> to vector<1x512xi32>
    %ne3A_135 = arith.constant 0 : i32
    %ne3A_136 = vector.broadcast %ne3A_135 : i32 to vector<1x512xi32>
    %ne3A_137 = arith.cmpi ne, %get3A_134, %ne3A_136 : vector<1x512xi32>
    %ne3A_138 = arith.constant -1 : i32
    %ne3A_139 = vector.broadcast %ne3A_138 : i32 to vector<1x512xi32>
    %ne3A_140 = arith.cmpi ne, %get3A_129, %ne3A_139 : vector<1x512xi32>
    %and3A_141 = arith.andi %ne3A_137, %ne3A_140 : vector<1x512xi1>
    %broadcast_in_dim3A_142 = arith.constant -2 : i32
    %broadcast_in_dim3A_143 = vector.broadcast %broadcast_in_dim3A_142 : i32 to vector<1x1xi32>
    %slice3A_144 = vector.extract_strided_slice %get3A_129 {offsets = [0, 0], sizes = [1, 511], strides = [1, 1]} : vector<1x512xi32> to vector<1x511xi32>
    %concatenate3A_145 = tpu.concatenate %broadcast_in_dim3A_143, %slice3A_144 in 1 : vector<1x1xi32>, vector<1x511xi32> -> vector<1x512xi32>
    %lt3A_146 = arith.constant 0 : i32
    %lt3A_147 = vector.broadcast %lt3A_146 : i32 to vector<1x512xi32>
    %lt3A_148 = arith.cmpi slt, %concatenate3A_145, %lt3A_147 : vector<1x512xi32>
    %ne3A_149 = arith.cmpi ne, %get3A_129, %concatenate3A_145 : vector<1x512xi32>
    %or3A_150 = arith.ori %lt3A_148, %ne3A_149 : vector<1x512xi1>
    %and3A_151 = arith.andi %and3A_141, %or3A_150 : vector<1x512xi1>
    %convert_element_type3A_152 = arith.extui %and3A_151 : vector<1x512xi1> to vector<1x512xi32>
    %convert_element_type3A_153 = arith.sitofp %convert_element_type3A_152 : vector<1x512xi32> to vector<1x512xf32>
    %convert_element_type3A_154 = arith.truncf %convert_element_type3A_153 : vector<1x512xf32> to vector<1x512xbf16>
    %dot_general3A_155 = arith.constant dense<0.000000e+00> : vector<1x512xf32>
    %dot_general3A_156 = tpu.matmul %convert_element_type3A_154, %convert_element_type3A_43, %dot_general3A_155 {dimension_numbers = #tpu.dot_dimension_numbers<[1], [0], [0], [1], [0, 0, 1, 1], [], []>, transpose_lhs_hint = false} : vector<1x512xbf16>, vector<512x512xbf16>, vector<1x512xf32> -> vector<1x512xf32>
    %convert_element_type3A_157 = arith.fptosi %dot_general3A_156 : vector<1x512xf32> to vector<1x512xi32>
    %sub3A_158 = arith.constant 1 : i32
    %sub3A_159 = vector.broadcast %sub3A_158 : i32 to vector<1x512xi32>
    %sub3A_160 = arith.subi %convert_element_type3A_157, %sub3A_159 : vector<1x512xi32>
    %eq3A_161 = vector.broadcast %sub3A_160 : vector<1x512xi32> to vector<128x512xi32>
    %eq3A_162 = arith.cmpi eq, %iota3A_44, %eq3A_161 : vector<128x512xi32>
    %and3A_163 = vector.broadcast %and3A_141 : vector<1x512xi1> to vector<128x512xi1>
    %and3A_164 = arith.andi %eq3A_162, %and3A_163 : vector<128x512xi1>
    %convert_element_type3A_165 = arith.extui %and3A_164 : vector<128x512xi1> to vector<128x512xi32>
    %convert_element_type3A_166 = arith.sitofp %convert_element_type3A_165 : vector<128x512xi32> to vector<128x512xf32>
    %convert_element_type3A_167 = arith.truncf %convert_element_type3A_166 : vector<128x512xf32> to vector<128x512xbf16>
    %convert_element_type3A_168 = arith.extf %convert_element_type3A_167 : vector<128x512xbf16> to vector<128x512xf32>
    %reduce_sum3A_169 = arith.constant dense<0.000000e+00> : vector<128xf32>
    %reduce_sum3A_170 = vector.multi_reduction <add>, %convert_element_type3A_168, %reduce_sum3A_169 [1] : vector<128x512xf32> to vector<128xf32>
    %broadcast_in_dim3A_171 = vector.shape_cast %reduce_sum3A_170 : vector<128xf32> to vector<128x1xf32>
    %slice3A_172 = vector.extract_strided_slice %convert_element_type3A_167 {offsets = [0, 0], sizes = [128, 256], strides = [1, 1]} : vector<128x512xbf16> to vector<128x256xbf16>
    %slice3A_173 = vector.extract_strided_slice %dot_general3A_16 {offsets = [256, 0], sizes = [256, 2], strides = [1, 1]} : vector<512x2xf32> to vector<256x2xf32>
    %convert_element_type3A_174 = arith.truncf %slice3A_173 : vector<256x2xf32> to vector<256x2xbf16>
    %dot_general3A_175 = arith.constant dense<0.000000e+00> : vector<128x2xf32>
    %dot_general3A_176 = tpu.matmul %slice3A_172, %convert_element_type3A_174, %dot_general3A_175 {dimension_numbers = #tpu.dot_dimension_numbers<[1], [0], [0], [1], [0, 0, 1, 1], [], []>, transpose_lhs_hint = false} : vector<128x256xbf16>, vector<256x2xbf16>, vector<128x2xf32> -> vector<128x2xf32>
    %add3A_177 = arith.constant 0.000000e+00 : f32
    %add3A_178 = vector.broadcast %add3A_177 : f32 to vector<128x2xf32>
    %add3A_179 = arith.addf %add3A_178, %dot_general3A_176 : vector<128x2xf32>
    %slice3A_180 = vector.extract_strided_slice %convert_element_type3A_167 {offsets = [0, 256], sizes = [128, 256], strides = [1, 1]} : vector<128x512xbf16> to vector<128x256xbf16>
    %slice3A_181 = vector.extract_strided_slice %dot_general3A_39 {offsets = [256, 0], sizes = [256, 2], strides = [1, 1]} : vector<512x2xf32> to vector<256x2xf32>
    %convert_element_type3A_182 = arith.truncf %slice3A_181 : vector<256x2xf32> to vector<256x2xbf16>
    %dot_general3A_183 = arith.constant dense<0.000000e+00> : vector<128x2xf32>
    %dot_general3A_184 = tpu.matmul %slice3A_180, %convert_element_type3A_182, %dot_general3A_183 {dimension_numbers = #tpu.dot_dimension_numbers<[1], [0], [0], [1], [0, 0, 1, 1], [], []>, transpose_lhs_hint = false} : vector<128x256xbf16>, vector<256x2xbf16>, vector<128x2xf32> -> vector<128x2xf32>
    %add3A_185 = arith.addf %add3A_179, %dot_general3A_184 : vector<128x2xf32>
    %max3A_186 = arith.constant 1.000000e+00 : f32
    %max3A_187 = vector.broadcast %max3A_186 : f32 to vector<128x1xf32>
    %max3A_188 = arith.maximumf %broadcast_in_dim3A_171, %max3A_187 : vector<128x1xf32>
    %div3A_189 = vector.broadcast %max3A_188 : vector<128x1xf32> to vector<128x2xf32>
    %div3A_190 = arith.divf %add3A_185, %div3A_189 : vector<128x2xf32>
    %slice3A_191 = vector.extract_strided_slice %div3A_190 {offsets = [0, 0], sizes = [63, 1], strides = [1, 1]} : vector<128x2xf32> to vector<63x1xf32>
    %dot_general3A_192 = arith.constant dense<0.000000e+00> : vector<1x128xf32>
    %dot_general3A_193 = tpu.matmul %convert_element_type3A_49, %div3A_190, %dot_general3A_192 {dimension_numbers = #tpu.dot_dimension_numbers<[1], [1], [0], [0], [0, 0, 1, 0], [], []>, transpose_lhs_hint = false} : vector<1x2xf32>, vector<128x2xf32>, vector<1x128xf32> -> vector<1x128xf32>
    %slice3A_194 = vector.extract_strided_slice %dot_general3A_193 {offsets = [0, 63], sizes = [1, 63], strides = [1, 1]} : vector<1x128xf32> to vector<1x63xf32>
    %add3A_195 = vector.broadcast %slice3A_191 : vector<63x1xf32> to vector<63x63xf32>
    %add3A_196 = vector.broadcast %slice3A_194 : vector<1x63xf32> to vector<63x63xf32>
    %add3A_197 = arith.addf %add3A_195, %add3A_196 : vector<63x63xf32>
    %get3A_198 = arith.constant 0 : index
    %get3A_199 = memref.load %arg8[%get3A_198] : memref<1xf32, #tpu.memory_space<smem>>
    %add3A_200 = vector.broadcast %get3A_199 : f32 to vector<63x63xf32>
    %add3A_201 = arith.addf %add3A_197, %add3A_200 : vector<63x63xf32>
    %jit3A_202 = arith.constant 0 : i32
    %convert_element_type3A_203 = arith.sitofp %jit3A_202 : i32 to f32
    %pad3A_204 = vector.broadcast %convert_element_type3A_203 : f32 to vector<1x63xf32>
    %pad3A_205 = tpu.concatenate %add3A_201, %pad3A_204 in 0 : vector<63x63xf32>, vector<1x63xf32> -> vector<64x63xf32>
    %pad3A_206 = vector.broadcast %convert_element_type3A_203 : f32 to vector<64x1xf32>
    %pad3A_207 = tpu.concatenate %pad3A_205, %pad3A_206 in 1 : vector<64x63xf32>, vector<64x1xf32> -> vector<64x64xf32>
    %swap3A_208 = arith.constant 1 : index
    %swap3A_209 = arith.constant 0 : index
    %swap3A_210 = arith.constant 0 : index
    %swap3A_211 = vector.load %arg9[%swap3A_208, %swap3A_209, %swap3A_210] : memref<2x64x64xf32, #tpu.memory_space<vmem>>, vector<1x64x64xf32>
    %swap3A_212 = vector.shape_cast %swap3A_211 : vector<1x64x64xf32> to vector<64x64xf32>
    %swap3A_213 = vector.shape_cast %pad3A_207 : vector<64x64xf32> to vector<1x64x64xf32>
    tpu.vector_store %arg9[%swap3A_208, %swap3A_209, %swap3A_210], %swap3A_213 {strides = array<i32>} : memref<2x64x64xf32, #tpu.memory_space<vmem>>, vector<1x64x64xf32>,
    return
  }
  func.func @transform_0(%arg0: i32) -> (i32, i32, i32) {
    %c0_i32 = arith.constant 0 : i32
    %c0_i32_0 = arith.constant 0 : i32
    %c0_i32_1 = arith.constant 0 : i32
    return %arg0, %c0_i32, %c0_i32_0 : i32, i32, i32
  }
  func.func @transform_1(%arg0: i32) -> (i32, i32, i32) {
    %c1_i32 = arith.constant 1 : i32
    %c0_i32 = arith.constant 0 : i32
    %c0_i32_0 = arith.constant 0 : i32
    return %arg0, %c1_i32, %c0_i32 : i32, i32, i32
  }
  func.func @transform_2(%arg0: i32) -> (i32, i32) {
    %c0_i32 = arith.constant 0 : i32
    %c0_i32_0 = arith.constant 0 : i32
    %c0_i32_1 = arith.constant 0 : i32
    return %c0_i32, %c0_i32_0 : i32, i32
  }
  func.func @transform_3(%arg0: i32) -> (i32, i32) {
    %c0_i32 = arith.constant 0 : i32
    %c0_i32_0 = arith.constant 0 : i32
    %c0_i32_1 = arith.constant 0 : i32
    return %c0_i32, %c0_i32_0 : i32, i32
  }
  func.func @transform_4(%arg0: i32) -> (i32, i32) {
    %c0_i32 = arith.constant 0 : i32
    %c0_i32_0 = arith.constant 0 : i32
    %c0_i32_1 = arith.constant 0 : i32
    return %c0_i32, %c0_i32_0 : i32, i32
  }
  func.func @transform_5(%arg0: i32) -> (i32, i32, i32) {
    %c0_i32 = arith.constant 0 : i32
    %c0_i32_0 = arith.constant 0 : i32
    %c0_i32_1 = arith.constant 0 : i32
    return %arg0, %c0_i32, %c0_i32_0 : i32, i32, i32
  }
  func.func @transform_6(%arg0: i32) -> (i32, i32, i32) {
    %c0_i32 = arith.constant 0 : i32
    %c0_i32_0 = arith.constant 0 : i32
    %c0_i32_1 = arith.constant 0 : i32
    return %arg0, %c0_i32, %c0_i32_0 : i32, i32, i32
  }
  func.func @transform_7(%arg0: i32) -> i32 {
    %c0_i32 = arith.constant 0 : i32
    %c0_i32_0 = arith.constant 0 : i32
    return %c0_i32 : i32
  }
  func.func @transform_8(%arg0: i32) -> (i32, i32, i32) {
    %c0_i32 = arith.constant 0 : i32
    %c0_i32_0 = arith.constant 0 : i32
    %c0_i32_1 = arith.constant 0 : i32
    return %arg0, %c0_i32, %c0_i32_0 : i32, i32, i32
  }
}

</mosaic_0001>

<sc_bundles>
// kernel: kernel.4.cloned.1.call-start
scs
__scs_entry_jumppad:
0x0: {  	(pc) =	sbr.rel $0x88, $3  }
0x1: {  	(tag) =	ssettag $0x0;
	lr =	simm.s32 $0x1  }
0x2: {  	[smem:$0x3F98] =	sst lr;
	_ =	strace $0xD0000000  }
0x3: {  	_ = 	snop  }
0x4: {  	_ = 	snop  }
0x5: {  	_ = 	snop  }
0x6: {  	_ = 	snop  }
0x7: {  	_ = 	snop  }
__scs_overlays_trampoline_lowered:
0x8: {  	[smem:$0x3FA7] =	sst s0  }
0x9: {  	[smem:$0x3FA8] =	sst s1  }
0xa: {  	[smem:$0x3FA9] =	sst s2  }
0xb: {  	[smem:$0x3FAA] =	sst s3  }
0xc: {  	[smem:$0x3FAB] =	sst s4  }
0xd: {  	[smem:$0x3FAC] =	sst s5  }
0xe: {  	[smem:$0x3FAD] =	sst s6  }
0xf: {  	[smem:$0x3FAE] =	sst s7  }
0x10: {  	[smem:$0x3FAF] =	sst s8  }
0x11: {  	[smem:$0x3FB0] =	sst s9;
	s0 =	simm.s32 @!p0 $0x0  }
0x12: {  	s1 =	sld [smem:$0x3F96];
	s0 =	simm.s32 @p0 $0x1  }
0x13: {  	[smem:$0x3FB1] =	sst s0;
	s0 =	simm.s32 @!p1 $0x0  }
0x14: {  	s2 =	sld [smem:$0x3F95];
	s0 =	simm.s32 @p1 $0x1  }
0x15: {  	[smem:$0x3FB2] =	sst s0;
	s0 =	simm.s32 @!p2 $0x0  }
0x16: {  	s3 =	sld [smem:$0x3FDB];
	s0 =	simm.s32 @p2 $0x1  }
0x17: {  	s4 =	simm.s32 $0x1BF5;
	[smem:$0x3FB4] =	sst s0  }
0x18: {  	s0 =	sld [smem:$0x3F97];
	_ =	swait.ge [sflag:s4], $0x0  }
0x19: {  	s7 =	sld [smem:$0x3F98]  }
0x1a: {  	s8 =	sadd.s32 $0xFFFFE003, lr  }
0x1b: {  	s9 =	sadd.s32 $0xFFFFFEF7, lr;
	s5 =	simm.s32 $0xFFFFFFFF;
	p2 =	slt.u32 s8, $0xFFFFF086  }
0x1c: {  	p1 =	slt.u32 s9, $0xF7A;
	s5 =	simm.s32 @!p2 $0x0  }
0x1d: {  	s5 =	simm.s32 @p1 $0x1;
	p0 =	seq.s32 s7, s2  }
0x1e: {  	s7 =	smul.u32 @!p0 $0xF7A, s2;
	p2 =	seq.s32 @!p0 s5, $0x0  }
0x1f: {  	s9 =	smul.u32 $0xF7A, s1;
	s8 =	simm.s32 @!p0 $0x1BF5;
	p2 =	por !p2, p0  }
0x20: {  	[sflag:s8] =	ssyncset.s32 @!p0 $0xFFFFF086;
	s6 =	sadd.s32 @!p0 s3, s7;
	s7 =	simm.s32 @!p0 $0x108  }
0x21: {  	s3 =	sadd.s32 s3, s9;
	s6 =	sadd.s32 @!p0 $0x88, s6;
	s7 =	simm.s32 @p2 $0x1082  }
0x22: {  	[simem:s7], [sflag:s8] =	dma.local @!p0 [hbm:s6], $0xF7A  }
0x23: {  	s9 =	sor.u32 $0xD0000000, s2;
	s6 =	simm.s32 $0x108;
	_ =	swait.ge @!p0 [sflag:s8], $0x0  }
0x24: {  	s3 =	sadd.s32 $0x88, s3;
	s6 =	simm.s32 @!p1 $0x1082;
	[sflag:s4] =	ssyncset.s32 $0xFFFFF086  }
0x25: {  	[simem:s6], [sflag:s4] =	dma.local [hbm:s3], $0xF7A  }
0x26: {  	[smem:$0x3F98] =	sst s1;
	(tag) =	ssettag s2;
	_ =	strace s9  }
0x27: {  	s1 =	sld [smem:$0x3FA8]  }
0x28: {  	s2 =	sld [smem:$0x3FA9]  }
0x29: {  	s4 =	sld [smem:$0x3FAB]  }
0x2a: {  	p0 =	seq.s32 s5, $0x0;
	s5 =	sld [smem:$0x3FAC]  }
0x2b: {  	s6 =	sld [smem:$0x3FAD]  }
0x2c: {  	s7 =	sld [smem:$0x3FAE]  }
0x2d: {  	s3 =	simm.s32 $0x108;
	s8 =	sld [smem:$0x3FAF]  }
0x2e: {  	s3 =	simm.s32 @!p0 $0x1082;
	s9 =	sld [smem:$0x3FB0]  }
0x2f: {  	lr =	sadd.s32 s0, s3;
	s0 =	sld [smem:$0x3FA7]  }
0x30: {  	s3 =	sld [smem:$0x3FAA]  }
0x31: {  	[smem:$0x3FB3] =	sst s10  }
0x32: {  	s10 =	sld [smem:$0x3FB1];
	_ =	sdelay $0x3  }
0x33: {  	p0 =	seq.s32 s10, $0x1;
	s10 =	sld [smem:$0x3FB3];
	_ =	sdelay $0x3  }
0x34: {  	[smem:$0x3FB3] =	sst s10  }
0x35: {  	s10 =	sld [smem:$0x3FB2];
	_ =	sdelay $0x3  }
0x36: {  	p1 =	seq.s32 s10, $0x1;
	s10 =	sld [smem:$0x3FB3];
	_ =	sdelay $0x3  }
0x37: {  	[smem:$0x3FB3] =	sst s10  }
0x38: {  	s10 =	sld [smem:$0x3FB4]  }
0x39: {  	_ = 	snop;
	(pc) =	sbr.ind lr, $3  }
0x3a: {  	_ = 	snop  }
0x3b: {  	_ = 	snop  }
0x3c: {  	p2 =	seq.s32 s10, $0x1;
	s10 =	sld [smem:$0x3FB3]  }
0x3d: {  	_ =	shalt  }
0x3e: {  	_ =	shalt  }
0x3f: {  	_ =	shalt  }
0x40: {  	_ =	shalt  }
0x41: {  	_ =	shalt  }
0x42: {  	_ =	shalt  }
0x43: {  	_ =	shalt  }
0x44: {  	_ =	shalt  }
0x45: {  	_ =	shalt  }
0x46: {  	_ =	shalt  }
0x47: {  	_ =	shalt  }
0x48: {  	_ =	shalt  }
0x49: {  	_ =	shalt  }
0x4a: {  	_ =	shalt  }
0x4b: {  	_ =	shalt  }
0x4c: {  	_ =	shalt  }
0x4d: {  	_ =	shalt  }
0x4e: {  	_ =	shalt  }
0x4f: {  	_ =	shalt  }
0x50: {  	_ =	shalt  }
0x51: {  	_ =	shalt  }
0x52: {  	_ =	shalt  }
0x53: {  	_ =	shalt  }
0x54: {  	_ =	shalt  }
0x55: {  	_ =	shalt  }
0x56: {  	_ =	shalt  }
0x57: {  	_ =	shalt  }
0x58: {  	_ =	shalt  }
0x59: {  	_ =	shalt  }
0x5a: {  	_ =	shalt  }
0x5b: {  	_ =	shalt  }
0x5c: {  	_ =	shalt  }
0x5d: {  	_ =	shalt  }
0x5e: {  	_ =	shalt  }
0x5f: {  	_ =	shalt  }
0x60: {  	_ =	shalt  }
0x61: {  	_ =	shalt  }
0x62: {  	_ =	shalt  }
0x63: {  	_ =	shalt  }
0x64: {  	_ =	shalt  }
0x65: {  	_ =	shalt  }
0x66: {  	_ =	shalt  }
0x67: {  	_ =	shalt  }
0x68: {  	_ =	shalt  }
0x69: {  	_ =	shalt  }
0x6a: {  	_ =	shalt  }
0x6b: {  	_ =	shalt  }
0x6c: {  	_ =	shalt  }
0x6d: {  	_ =	shalt  }
0x6e: {  	_ =	shalt  }
0x6f: {  	_ =	shalt  }
0x70: {  	_ =	shalt  }
0x71: {  	_ =	shalt  }
0x72: {  	_ =	shalt  }
0x73: {  	_ =	shalt  }
0x74: {  	_ =	shalt  }
0x75: {  	_ =	shalt  }
0x76: {  	_ =	shalt  }
0x77: {  	_ =	shalt  }
0x78: {  	_ =	shalt  }
0x79: {  	_ =	shalt  }
0x7a: {  	_ =	shalt  }
0x7b: {  	_ =	shalt  }
0x7c: {  	_ =	shalt  }
0x7d: {  	_ =	shalt  }
0x7e: {  	_ =	shalt  }
0x7f: {  	_ =	shalt  }
0x80: {  	_ =	shalt  }
0x81: {  	_ =	shalt  }
0x82: {  	_ =	shalt  }
0x83: {  	_ =	shalt  }
0x84: {  	_ =	shalt  }
0x85: {  	_ =	shalt  }
0x86: {  	_ =	shalt  }
0x87: {  	_ =	shalt  }
.Lfunc_end0:
.L_simem_size_0:
called_computation_lowered:
.L_overlay_start_0:
0x88: {  	s2 =	sld [smem:$0x3FD9]  }
0x89: {  	s3 =	sld [smem:$0x3FFE];
	_ =	sdelay $0x1  }
0x8a: {  	s1 =	srdreg.scid  }
0x8b: {  	s0 =	sand.u32 $0x1, s1  }
0x8c: {  	s17 =	sshll.u32 s0, $0xA;
	s2 =	sadd.s32 s3, s2  }
0x8d: {  	s2 =	sadd.s32 s2, s17  }
0x8e: {  	[smem:$0x3FBF] =	sst s2  }
0x8f: {  	_ = 	snop  }
0x90: {  	s2 =	sld [smem:$0x3FC9]  }
0x91: {  	s18 =	sld [smem:$0x3FC5];
	(tm) =	ssettm $0x1  }
0x92: {  	s4 =	sld [smem:$0x3FFB];
	_ =	sdelay $0x3  }
0x93: {  	_ =	strace s4  }
0x94: {  	s4 =	sld [smem:$0x3FFC];
	_ =	sdelay $0x3  }
0x95: {  	_ =	strace s4  }
0x96: {  	s4 =	sld [smem:$0x3FFD];
	_ =	sdelay $0x3  }
0x97: {  	_ =	strace s4  }
0x98: {  	_ =	strace $0x8FFFFFFF  }
0x99: {  	s19 =	sld [smem:$0x3FDB];
	_ =	sdelay $0x1  }
0x9a: {  	s5 =	simm.s32 $_scs_section_size  }
0x9b: {  	s6 =	simm.s32 $_size__tile_overlayer_lowered;
	s7 =	simm.s32 $_tile_overlayer_lowered  }
0x9c: {  	s22 =	simm.s32 $0x1BFF;
	s21 =	sshll.u32 s7, $0x1;
	s4 =	sadd.s32 s5, s19  }
0x9d: {  	s8 =	simm.s32 $0x0;
	s20 =	sshll.u32 s6, $0x1;
	s6 =	sadd.s32 s21, s4  }
0x9e: {  	[timem:s8], [sflag:s22] =	dma.local [hbm:s6], s20  }
0x9f: {  	_ =	swait.ge [sflag:s22], s20  }
0xa0: {  	s5 =	ssub.s32 $0x0, s20;
	[sflag:s22] =	ssyncset.done $0x0  }
0xa1: {  	[sflag:s22] =	ssyncadd.s32 s5;
	_ =	sdelay $0x1  }
0xa2: {  	s23 =	simm.s32 $0x1B8B  }
0xa3: {  	_ =	swait.ge [sflag:s23], $0x1  }
0xa4: {  	[sflag:s23] =	ssyncset.done $0x0  }
0xa5: {  	s25 =	simm.s32 $0x1B8E;
	s24 =	sld [smem:$0x3FFE];
	[sflag:s23] =	ssyncadd.s32 $0xFFFFFFFF  }
0xa6: {  	s26 =	simm.s32 $execute0_lowered;
	[smem:$0x3FD2] =	sst s25  }
0xa7: {  	s6 =	sshll.u32 s26, $0x1;
	_ =	strace $0x80000046;
	[dreg:$0x1] =	wrdreg $0xFFFFFFFF  }
0xa8: {  	s28 =	simm.s32 $_size_execute0_lowered;
	s4 =	sadd.s32 s4, s6;
	[dreg:$0x0] =	wrdreg $0x0  }
0xa9: {  	s6 =	sshll.u32 s28, $0x1;
	[dreg:$0x2] =	wrdreg s4  }
0xaa: {  	[dreg:$0x3] =	wrdreg s6  }
0xab: {  	[dreg:$0x4] =	wrdreg $0xC0  }
0xac: {  	_ =	task [dreg:s8], $0x5FFFF  }
0xad: {  	[dreg:$0x1] =	wrdreg $0xFFFFFFFF  }
0xae: {  	[dreg:$0x0] =	wrdreg $0x60  }
0xaf: {  	[dreg:$0x2] =	wrdreg s18  }
0xb0: {  	[dreg:$0x3] =	wrdreg s2  }
0xb1: {  	[dreg:$0x4] =	wrdreg s24  }
0xb2: {  	[dreg:$0x5] =	wrdreg $0x9  }
0xb3: {  	_ =	task.clear_ibuf [dreg:s8], $0x6FFFF;
	_ =	strace $0x90000046  }
0xb4: {  	s29 =	simm.s32 $0x9;
	_ =	strace $0x80000048  }
0xb5: {  	_ =	swait.ge [sflag:s29], $0x1  }
0xb6: {  	[sflag:s29] =	ssyncadd.s32 $0xFFFFFFFF  }
0xb7: {  	_ =	strace $0x90000048  }
0xb8: {  	_ =	sfence  }
0xb9: {  	s30 =	sld [smem:$0x0];
	_ =	sdelay $0x2  }
0xba: {  	s31 =	sshll.u32 s1, $0xD;
	s1 =	sshrl.u32 s1, $0x2  }
0xbb: {  	s3 =	sand.u32 $0x4000, s31;
	s1 =	sadd.s32 s1, s30  }
0xbc: {  	s0 =	sor.u32 s3, s0;
	s1 =	sshll.u32 s1, $0x11  }
0xbd: {  	s0 =	sor.u32 s1, s0  }
0xbe: {  	s0 =	sadd.s32 $0x8F2B, s0  }
0xbf: {  	[sflag:s0] =	ssyncadd.remote.s32 $0x1  }
0xc0: {  	_ =	sfence.sel $0xFFFF  }
0xc1: {  	[dreg:$0x0] =	wrdreg $0xFFFFFFFF;
	(pc) =	sbr.abs _section_cstart, $3  }
0xc2: {  	[dreg:$0x1] =	wrdreg $0xFFFFFFFF  }
0xc3: {  	_ =	task.clear_ibuf [dreg:s8], $0x2FFFF;
	_ =	strace $0x9FFFFFFF  }
0xc4: {  	(tm) =	ssettm $0x7FFFFFFF  }
0xc5: {  	_ =	shalt  }
tec
execute0_lowered:
.L_overlay_start_1:
0x0: {  	(tag) =	ssettag $0x1  }
0x1: {  	s0 =	stileid.u32  }
0x2: {  	s1 =	rddreg [dreg:$0x0];
	s2 =	srdreg.scid;
	s3 =	sshll.u32 s0, $0x1  }
0x3: {  	s5 =	rddreg [dreg:$0x1];
	s2 =	sand.u32 $0x1, s2;
	s3 =	sand.u32 $0x2, s3  }
0x4: {  	s8 =	rddreg [dreg:$0x2];
	s6 =	sor.u32 s2, s3;
	s3 =	simm.s32 $0x0  }
0x5: {  	s21 =	simm.s32 $0x880;
	[smem:$0x7FF] =	sst s3  }
0x6: {  	s22 =	simm.s32 $0x1080;
	_ =	strace $0x80000047;
	[dreg:$0x7] =	wrdreg s21  }
0x7: {  	s23 =	simm.s32 $0x1880;
	[dreg:$0x8] =	wrdreg s22  }
0x8: {  	s24 =	simm.s32 $0x2080;
	s25 =	simm.s32 $0x2880;
	[dreg:$0x9] =	wrdreg s23  }
0x9: {  	s26 =	simm.s32 $0x3080;
	s10 =	simm.s32 $0x6880;
	[dreg:$0xa] =	wrdreg s24  }
0xa: {  	s4 =	sshrl.u32 s0, $0x1;
	s0 =	simm.s32 $0x3880;
	[dreg:$0xb] =	wrdreg s25  }
0xb: {  	s7 =	smul.u32 $0x60000, s4;
	s4 =	sshll.u32 s4, $0x4;
	[dreg:$0xc] =	wrdreg s26  }
0xc: {  	s4 =	sadd.s32 s5, s4;
	s5 =	simm.s32 $0x4080;
	[dreg:$0xd] =	wrdreg s0  }
0xd: {  	s11 =	simm.s32 $0x7080;
	s12 =	simm.s32 $0x7880;
	[dreg:$0xe] =	wrdreg s5  }
0xe: {  	s13 =	simm.s32 $0x8080;
	s14 =	simm.s32 $0x8880;
	[dreg:$0x13] =	wrdreg s10  }
0xf: {  	s15 =	simm.s32 $0x9080;
	s16 =	simm.s32 $0x9880;
	[dreg:$0x14] =	wrdreg s11  }
0x10: {  	s17 =	simm.s32 $0xA080;
	s28 =	simm.s32 $0x17880;
	[dreg:$0x15] =	wrdreg s12  }
0x11: {  	s29 =	simm.s32 $0x1;
	s30 =	simm.s32 $0x2;
	[dreg:$0x16] =	wrdreg s13  }
0x12: {  	s31 =	simm.s32 $0x3;
	s2 =	ssub.s32 $0x2, s2;
	[dreg:$0x17] =	wrdreg s14  }
0x13: {  	s9 =	smul.u32 $0x18000, s6;
	s6 =	sshll.u32 s6, $0x7;
	[dreg:$0x18] =	wrdreg s15  }
0x14: {  	s4 =	sadd.s32 s6, s4;
	s6 =	simm.s32 $0x4880;
	[dreg:$0x19] =	wrdreg s16  }
0x15: {  	[dreg:$0x1a] =	wrdreg s17;
	s21 =	simm.s32 $0xB880;
	s22 =	simm.s32 $0xC880  }
0x16: {  	s5 =	sadd.s32 $0x200, s1;
	s23 =	simm.s32 $0xD080;
	[dreg:$0x4] =	wrdreg s4  }
0x17: {  	s24 =	simm.s32 $0xD880;
	s25 =	simm.s32 $0xE080;
	[dreg:$0xf] =	wrdreg s6  }
0x18: {  	s26 =	simm.s32 $0xE880;
	s11 =	simm.s32 $0xF880;
	[dreg:$0x1d] =	wrdreg s21  }
0x19: {  	s12 =	simm.s32 $0x10080;
	s13 =	simm.s32 $0x10880;
	[dreg:$0x1e] =	wrdreg s22  }
0x1a: {  	s14 =	simm.s32 $0x11080;
	s15 =	simm.s32 $0x11880;
	[dreg:$0x1f] =	wrdreg s23  }
0x1b: {  	s16 =	simm.s32 $0x12080;
	s17 =	simm.s32 $0x12880;
	[smem:$0x7FB] =	sst s24  }
0x1c: {  	s7 =	sadd.s32 s7, s9;
	s9 =	simm.s32 $0x6080;
	[smem:$0x7FC] =	sst s25  }
0x1d: {  	s4 =	sadd.s32 $0x100, s1;
	[smem:$0x7FD] =	sst s26;
	s21 =	simm.s32 $0x14880  }
0x1e: {  	s22 =	simm.s32 $0x15080;
	s23 =	simm.s32 $0x15880;
	s24 =	simm.s32 $0x16080  }
0x1f: {  	s25 =	simm.s32 $0x16880;
	s26 =	simm.s32 $0x17080;
	s7 =	sshrl.u32 s7, $0x3  }
0x20: {  	[dreg:$0x12] =	wrdreg s9;
	s18 =	sadd.s32 s7, s8;
	s7 =	simm.s32 $0x5080  }
0x21: {  	s9 =	simm.s32 $0xC080;
	s8 =	simm.s32 $0x5880;
	[dreg:$0x10] =	wrdreg s7  }
0x22: {  	s19 =	sadd.s32 $0xE00, s18;
	s20 =	sadd.s32 $0x2600, s18;
	[dreg:$0x11] =	wrdreg s8  }
0x23: {  	s18 =	simm.s32 $0xA880;
	s7 =	simm.s32 $0x5;
	[dreg:$0x5] =	wrdreg s19  }
0x24: {  	s8 =	simm.s32 $0x80;
	[dreg:$0x6] =	wrdreg s20;
	s19 =	sshrl.u32 s2, $0x1  }
0x25: {  	v2 =	vlaneseq.u32;
	[dreg:$0x1b] =	wrdreg s18;
	s20 =	simm.s32 $0xB080;
	s18 =	simm.s32 $0x13080  }
0x26: {  	vm0 =	vmmov $0xffff;
	v1 =	vshrl.u32 v2, $0x3;
	s2 =	ssub.s32 s2, s19;
	[dreg:$0x1c] =	wrdreg s20;
	s19 =	simm.s32 $0x13880  }
0x27: {  	v0 =	vand.u32 $0x7, v2;
	v2 =	vor.u32 $0x8, v2;
	v1 =	vmul.u32 $0x8, v1;
	s20 =	simm.s32 $0x14080;
	s6 =	smax.u32 s2, $0x1;
	s2 =	simm.s32 $0x4  }
.LBB2_1:
0x28: {  	s0 =	rddreg [dreg:$0x4]  }
0x29: {  	[tilespmem:s3], [sflag:$0x5] =	stream.linear.gather [hbm4b:s0+s3], $0x80, $0x38;
	[tilespmem:$0x18080] =	vst v63  }
0x2a: {  	_ =	swait.ge [sflag:s7], $0x80  }
0x2b: {  	[sflag:s7] =	ssyncset.done $0x0  }
0x2c: {  	[sflag:s7] =	ssyncadd.s32 $0xFFFFFF80  }
0x2d: {  	v3 =	vld [tilespmem:$0x0];
	_ =	sdelay $0x4  }
0x2e: {  	v4 =	vshrl.u32 v3, $0x3  }
0x2f: {  	v4 =	vmul.u32 $0x30, v4  }
0x30: {  	v3 =	vand.u32 $0x7, v3  }
0x31: {  	v3 =	vor.u32 v3, v4  }
0x32: {  	v4 =	vperm.xlane v3, v0;
	_ =	sdelay $0x1  }
0x33: {  	v4 =	vadd.s32 v1, v4;
	_ =	sdelay $0x3  }
0x34: {  	v3 =	vperm.xlane v3, v2  }
0x35: {  	[tilespmem:s8], [sflag:$0x1] =	stream.indirect_vreg.gather [hbm4b:s1+s3], $0x80, v4, vm0, $0xb8;
	[tilespmem:$0x18080] =	vst v63  }
0x36: {  	s0 =	rddreg [dreg:$0x7];
	v3 =	vadd.s32 v1, v3  }
0x37: {  	[tilespmem:s0], [sflag:$0x1] =	stream.indirect_vreg.gather [hbm4b:s4+s3], $0x80, v4, vm0, $0xb8;
	[tilespmem:$0x18080] =	vst v63  }
0x38: {  	s10 =	rddreg [dreg:$0x8]  }
0x39: {  	[tilespmem:s10], [sflag:$0x1] =	stream.indirect_vreg.gather [hbm4b:s5+s3], $0x80, v4, vm0, $0xb8;
	[tilespmem:$0x18080] =	vst v63  }
0x3a: {  	s0 =	rddreg [dreg:$0x9]  }
0x3b: {  	[tilespmem:s0], [sflag:$0x1] =	stream.indirect_vreg.gather [hbm4b:s1+s3], $0x80, v3, vm0, $0xb8;
	[tilespmem:$0x18080] =	vst v63  }
0x3c: {  	s10 =	rddreg [dreg:$0xa]  }
0x3d: {  	[tilespmem:s10], [sflag:$0x1] =	stream.indirect_vreg.gather [hbm4b:s4+s3], $0x80, v3, vm0, $0xb8;
	[tilespmem:$0x18080] =	vst v63  }
0x3e: {  	s0 =	rddreg [dreg:$0xb]  }
0x3f: {  	[tilespmem:s0], [sflag:$0x1] =	stream.indirect_vreg.gather [hbm4b:s5+s3], $0x80, v3, vm0, $0xb8;
	[tilespmem:$0x18080] =	vst v63  }
0x40: {  	v3 =	vld [tilespmem:$0x10];
	_ =	sdelay $0x4  }
0x41: {  	v57 =	vshrl.u32 v3, $0x3  }
0x42: {  	v4 =	vmul.u32 $0x30, v57  }
0x43: {  	v3 =	vand.u32 $0x7, v3  }
0x44: {  	v3 =	vor.u32 v3, v4  }
0x45: {  	v4 =	vperm.xlane v3, v0;
	_ =	sdelay $0x1  }
0x46: {  	v4 =	vadd.s32 v1, v4;
	_ =	sdelay $0x3  }
0x47: {  	s0 =	rddreg [dreg:$0xc];
	v3 =	vperm.xlane v3, v2  }
0x48: {  	[tilespmem:s0], [sflag:$0x1] =	stream.indirect_vreg.gather [hbm4b:s1+s3], $0x80, v4, vm0, $0xb8;
	[tilespmem:$0x18080] =	vst v63  }
0x49: {  	s10 =	rddreg [dreg:$0xd];
	v3 =	vadd.s32 v1, v3  }
0x4a: {  	[tilespmem:s10], [sflag:$0x1] =	stream.indirect_vreg.gather [hbm4b:s4+s3], $0x80, v4, vm0, $0xb8;
	[tilespmem:$0x18080] =	vst v63  }
0x4b: {  	s0 =	rddreg [dreg:$0xe]  }
0x4c: {  	[tilespmem:s0], [sflag:$0x1] =	stream.indirect_vreg.gather [hbm4b:s5+s3], $0x80, v4, vm0, $0xb8;
	[tilespmem:$0x18080] =	vst v63  }
0x4d: {  	s10 =	rddreg [dreg:$0xf]  }
0x4e: {  	[tilespmem:s10], [sflag:$0x1] =	stream.indirect_vreg.gather [hbm4b:s1+s3], $0x80, v3, vm0, $0xb8;
	[tilespmem:$0x18080] =	vst v63  }
0x4f: {  	s0 =	rddreg [dreg:$0x10]  }
0x50: {  	[tilespmem:s0], [sflag:$0x1] =	stream.indirect_vreg.gather [hbm4b:s4+s3], $0x80, v3, vm0, $0xb8;
	[tilespmem:$0x18080] =	vst v63  }
0x51: {  	s10 =	rddreg [dreg:$0x11]  }
0x52: {  	[tilespmem:s10], [sflag:$0x1] =	stream.indirect_vreg.gather [hbm4b:s5+s3], $0x80, v3, vm0, $0xb8;
	[tilespmem:$0x18080] =	vst v63  }
0x53: {  	v3 =	vld [tilespmem:$0x20];
	_ =	sdelay $0x4  }
0x54: {  	v58 =	vshrl.u32 v3, $0x3  }
0x55: {  	v4 =	vmul.u32 $0x30, v58  }
0x56: {  	v3 =	vand.u32 $0x7, v3  }
0x57: {  	v3 =	vor.u32 v3, v4  }
0x58: {  	v4 =	vperm.xlane v3, v0;
	_ =	sdelay $0x1  }
0x59: {  	v4 =	vadd.s32 v1, v4;
	_ =	sdelay $0x3  }
0x5a: {  	s0 =	rddreg [dreg:$0x12];
	v3 =	vperm.xlane v3, v2  }
0x5b: {  	[tilespmem:s0], [sflag:$0x1] =	stream.indirect_vreg.gather [hbm4b:s1+s3], $0x80, v4, vm0, $0xb8;
	[tilespmem:$0x18080] =	vst v63  }
0x5c: {  	s10 =	rddreg [dreg:$0x13];
	v3 =	vadd.s32 v1, v3  }
0x5d: {  	[tilespmem:s10], [sflag:$0x1] =	stream.indirect_vreg.gather [hbm4b:s4+s3], $0x80, v4, vm0, $0xb8;
	[tilespmem:$0x18080] =	vst v63  }
0x5e: {  	s0 =	rddreg [dreg:$0x14]  }
0x5f: {  	[tilespmem:s0], [sflag:$0x1] =	stream.indirect_vreg.gather [hbm4b:s5+s3], $0x80, v4, vm0, $0xb8;
	[tilespmem:$0x18080] =	vst v63  }
0x60: {  	s10 =	rddreg [dreg:$0x15]  }
0x61: {  	[tilespmem:s10], [sflag:$0x1] =	stream.indirect_vreg.gather [hbm4b:s1+s3], $0x80, v3, vm0, $0xb8;
	[tilespmem:$0x18080] =	vst v63  }
0x62: {  	s0 =	rddreg [dreg:$0x16]  }
0x63: {  	[tilespmem:s0], [sflag:$0x1] =	stream.indirect_vreg.gather [hbm4b:s4+s3], $0x80, v3, vm0, $0xb8;
	[tilespmem:$0x18080] =	vst v63  }
0x64: {  	s10 =	rddreg [dreg:$0x17]  }
0x65: {  	[tilespmem:s10], [sflag:$0x1] =	stream.indirect_vreg.gather [hbm4b:s5+s3], $0x80, v3, vm0, $0xb8;
	[tilespmem:$0x18080] =	vst v63  }
0x66: {  	v3 =	vld [tilespmem:$0x30];
	_ =	sdelay $0x4  }
0x67: {  	v59 =	vshrl.u32 v3, $0x3  }
0x68: {  	v4 =	vmul.u32 $0x30, v59  }
0x69: {  	v3 =	vand.u32 $0x7, v3  }
0x6a: {  	v3 =	vor.u32 v3, v4  }
0x6b: {  	v4 =	vperm.xlane v3, v0;
	_ =	sdelay $0x1  }
0x6c: {  	v4 =	vadd.s32 v1, v4;
	_ =	sdelay $0x3  }
0x6d: {  	s0 =	rddreg [dreg:$0x18];
	v3 =	vperm.xlane v3, v2  }
0x6e: {  	[tilespmem:s0], [sflag:$0x1] =	stream.indirect_vreg.gather [hbm4b:s1+s3], $0x80, v4, vm0, $0xb8;
	[tilespmem:$0x18080] =	vst v63  }
0x6f: {  	s10 =	rddreg [dreg:$0x19];
	v3 =	vadd.s32 v1, v3  }
0x70: {  	[tilespmem:s10], [sflag:$0x1] =	stream.indirect_vreg.gather [hbm4b:s4+s3], $0x80, v4, vm0, $0xb8;
	[tilespmem:$0x18080] =	vst v63  }
0x71: {  	s0 =	rddreg [dreg:$0x1a]  }
0x72: {  	[tilespmem:s0], [sflag:$0x1] =	stream.indirect_vreg.gather [hbm4b:s5+s3], $0x80, v4, vm0, $0xb8;
	[tilespmem:$0x18080] =	vst v63  }
0x73: {  	s10 =	rddreg [dreg:$0x1b]  }
0x74: {  	[tilespmem:s10], [sflag:$0x1] =	stream.indirect_vreg.gather [hbm4b:s1+s3], $0x80, v3, vm0, $0xb8;
	[tilespmem:$0x18080] =	vst v63  }
0x75: {  	s0 =	rddreg [dreg:$0x1c]  }
0x76: {  	[tilespmem:s0], [sflag:$0x1] =	stream.indirect_vreg.gather [hbm4b:s4+s3], $0x80, v3, vm0, $0xb8;
	[tilespmem:$0x18080] =	vst v63  }
0x77: {  	s10 =	rddreg [dreg:$0x1d]  }
0x78: {  	[tilespmem:s10], [sflag:$0x1] =	stream.indirect_vreg.gather [hbm4b:s5+s3], $0x80, v3, vm0, $0xb8;
	[tilespmem:$0x18080] =	vst v63  }
0x79: {  	v3 =	vld [tilespmem:$0x40];
	_ =	sdelay $0x4  }
0x7a: {  	v60 =	vshrl.u32 v3, $0x3  }
0x7b: {  	v4 =	vmul.u32 $0x30, v60  }
0x7c: {  	v3 =	vand.u32 $0x7, v3  }
0x7d: {  	v3 =	vor.u32 v3, v4  }
0x7e: {  	v4 =	vperm.xlane v3, v0;
	_ =	sdelay $0x1  }
0x7f: {  	v4 =	vadd.s32 v1, v4;
	_ =	sdelay $0x3  }
0x80: {  	s0 =	rddreg [dreg:$0x1e];
	v3 =	vperm.xlane v3, v2  }
0x81: {  	[tilespmem:s9], [sflag:$0x2] =	stream.indirect_vreg.gather [hbm4b:s1+s3], $0x80, v4, vm0, $0xb8;
	[tilespmem:$0x18080] =	vst v63  }
0x82: {  	s10 =	rddreg [dreg:$0x1f];
	v3 =	vadd.s32 v1, v3  }
0x83: {  	[tilespmem:s0], [sflag:$0x2] =	stream.indirect_vreg.gather [hbm4b:s4+s3], $0x80, v4, vm0, $0xb8;
	[tilespmem:$0x18080] =	vst v63  }
0x84: {  	s0 =	sld [smem:$0x7FB]  }
0x85: {  	[tilespmem:s10], [sflag:$0x2] =	stream.indirect_vreg.gather [hbm4b:s5+s3], $0x80, v4, vm0, $0xb8;
	[tilespmem:$0x18080] =	vst v63  }
0x86: {  	s10 =	sld [smem:$0x7FC]  }
0x87: {  	[tilespmem:s0], [sflag:$0x2] =	stream.indirect_vreg.gather [hbm4b:s1+s3], $0x80, v3, vm0, $0xb8;
	[tilespmem:$0x18080] =	vst v63  }
0x88: {  	s0 =	sld [smem:$0x7FD]  }
0x89: {  	[tilespmem:s10], [sflag:$0x2] =	stream.indirect_vreg.gather [hbm4b:s4+s3], $0x80, v3, vm0, $0xb8;
	[tilespmem:$0x18080] =	vst v63  }
0x8a: {  	_ = 	snop  }
0x8b: {  	[tilespmem:s0], [sflag:$0x2] =	stream.indirect_vreg.gather [hbm4b:s5+s3], $0x80, v3, vm0, $0xb8;
	[tilespmem:$0x18080] =	vst v63  }
0x8c: {  	v3 =	vld [tilespmem:$0x50];
	_ =	sdelay $0x4  }
0x8d: {  	v61 =	vshrl.u32 v3, $0x3  }
0x8e: {  	v4 =	vmul.u32 $0x30, v61  }
0x8f: {  	v3 =	vand.u32 $0x7, v3  }
0x90: {  	v3 =	vor.u32 v3, v4  }
0x91: {  	v4 =	vperm.xlane v3, v0;
	_ =	sdelay $0x1  }
0x92: {  	v4 =	vadd.s32 v1, v4;
	_ =	sdelay $0x3  }
0x93: {  	s10 =	simm.s32 $0xF080;
	v3 =	vperm.xlane v3, v2  }
0x94: {  	[tilespmem:s10], [sflag:$0x2] =	stream.indirect_vreg.gather [hbm4b:s1+s3], $0x80, v4, vm0, $0xb8;
	[tilespmem:$0x18080] =	vst v63  }
0x95: {  	v3 =	vadd.s32 v1, v3  }
0x96: {  	[tilespmem:s11], [sflag:$0x2] =	stream.indirect_vreg.gather [hbm4b:s4+s3], $0x80, v4, vm0, $0xb8;
	[tilespmem:$0x18080] =	vst v63  }
0x97: {  	_ = 	snop  }
0x98: {  	[tilespmem:s12], [sflag:$0x2] =	stream.indirect_vreg.gather [hbm4b:s5+s3], $0x80, v4, vm0, $0xb8;
	[tilespmem:$0x18080] =	vst v63  }
0x99: {  	_ = 	snop  }
0x9a: {  	[tilespmem:s13], [sflag:$0x2] =	stream.indirect_vreg.gather [hbm4b:s1+s3], $0x80, v3, vm0, $0xb8;
	[tilespmem:$0x18080] =	vst v63  }
0x9b: {  	_ = 	snop  }
0x9c: {  	[tilespmem:s14], [sflag:$0x2] =	stream.indirect_vreg.gather [hbm4b:s4+s3], $0x80, v3, vm0, $0xb8;
	[tilespmem:$0x18080] =	vst v63  }
0x9d: {  	_ = 	snop  }
0x9e: {  	[tilespmem:s15], [sflag:$0x2] =	stream.indirect_vreg.gather [hbm4b:s5+s3], $0x80, v3, vm0, $0xb8;
	[tilespmem:$0x18080] =	vst v63  }
0x9f: {  	v3 =	vld [tilespmem:$0x60];
	_ =	sdelay $0x4  }
0xa0: {  	v62 =	vshrl.u32 v3, $0x3  }
0xa1: {  	v4 =	vmul.u32 $0x30, v62  }
0xa2: {  	v3 =	vand.u32 $0x7, v3  }
0xa3: {  	v3 =	vor.u32 v3, v4  }
0xa4: {  	v4 =	vperm.xlane v3, v0;
	_ =	sdelay $0x1  }
0xa5: {  	v4 =	vadd.s32 v1, v4;
	_ =	sdelay $0x3  }
0xa6: {  	v3 =	vperm.xlane v3, v2  }
0xa7: {  	[tilespmem:s16], [sflag:$0x2] =	stream.indirect_vreg.gather [hbm4b:s1+s3], $0x80, v4, vm0, $0xb8;
	[tilespmem:$0x18080] =	vst v63  }
0xa8: {  	v3 =	vadd.s32 v1, v3  }
0xa9: {  	[tilespmem:s17], [sflag:$0x2] =	stream.indirect_vreg.gather [hbm4b:s4+s3], $0x80, v4, vm0, $0xb8;
	[tilespmem:$0x18080] =	vst v63  }
0xaa: {  	_ = 	snop  }
0xab: {  	[tilespmem:s18], [sflag:$0x2] =	stream.indirect_vreg.gather [hbm4b:s5+s3], $0x80, v4, vm0, $0xb8;
	[tilespmem:$0x18080] =	vst v63  }
0xac: {  	_ = 	snop  }
0xad: {  	[tilespmem:s19], [sflag:$0x2] =	stream.indirect_vreg.gather [hbm4b:s1+s3], $0x80, v3, vm0, $0xb8;
	[tilespmem:$0x18080] =	vst v63  }
0xae: {  	_ = 	snop  }
0xaf: {  	[tilespmem:s20], [sflag:$0x2] =	stream.indirect_vreg.gather [hbm4b:s4+s3], $0x80, v3, vm0, $0xb8;
	[tilespmem:$0x18080] =	vst v63  }
0xb0: {  	_ = 	snop  }
0xb1: {  	[tilespmem:s21], [sflag:$0x2] =	stream.indirect_vreg.gather [hbm4b:s5+s3], $0x80, v3, vm0, $0xb8;
	[tilespmem:$0x18080] =	vst v63  }
0xb2: {  	v3 =	vld [tilespmem:$0x70];
	_ =	sdelay $0x4  }
0xb3: {  	v63 =	vshrl.u32 v3, $0x3  }
0xb4: {  	v4 =	vmul.u32 $0x30, v63  }
0xb5: {  	v3 =	vand.u32 $0x7, v3  }
0xb6: {  	v3 =	vor.u32 v3, v4  }
0xb7: {  	v4 =	vperm.xlane v3, v0;
	_ =	sdelay $0x1  }
0xb8: {  	v4 =	vadd.s32 v1, v4;
	_ =	sdelay $0x3  }
0xb9: {  	v3 =	vperm.xlane v3, v2  }
0xba: {  	[tilespmem:s22], [sflag:$0x2] =	stream.indirect_vreg.gather [hbm4b:s1+s3], $0x80, v4, vm0, $0xb8;
	[tilespmem:$0x18080] =	vst v63  }
0xbb: {  	v3 =	vadd.s32 v1, v3  }
0xbc: {  	[tilespmem:s23], [sflag:$0x2] =	stream.indirect_vreg.gather [hbm4b:s4+s3], $0x80, v4, vm0, $0xb8;
	[tilespmem:$0x18080] =	vst v63  }
0xbd: {  	_ = 	snop  }
0xbe: {  	[tilespmem:s24], [sflag:$0x2] =	stream.indirect_vreg.gather [hbm4b:s5+s3], $0x80, v4, vm0, $0xb8;
	[tilespmem:$0x18080] =	vst v63  }
0xbf: {  	_ = 	snop  }
0xc0: {  	[tilespmem:s25], [sflag:$0x2] =	stream.indirect_vreg.gather [hbm4b:s1+s3], $0x80, v3, vm0, $0xb8;
	[tilespmem:$0x18080] =	vst v63  }
0xc1: {  	_ = 	snop  }
0xc2: {  	[tilespmem:s26], [sflag:$0x2] =	stream.indirect_vreg.gather [hbm4b:s4+s3], $0x80, v3, vm0, $0xb8;
	[tilespmem:$0x18080] =	vst v63  }
0xc3: {  	_ = 	snop  }
0xc4: {  	[tilespmem:s28], [sflag:$0x2] =	stream.indirect_vreg.gather [hbm4b:s5+s3], $0x80, v3, vm0, $0xb8;
	[tilespmem:$0x18080] =	vst v63  }
0xc5: {  	_ =	swait.ge [sflag:s29], $0xC000  }
0xc6: {  	[sflag:s29] =	ssyncset.done $0x0  }
0xc7: {  	s10 =	rddreg [dreg:$0x5];
	[sflag:s29] =	ssyncadd.s32 $0xFFFF4000  }
0xc8: {  	[hbm4b:s10+s3] =	stream.linear.scatter [tilespmem:s8], [sflag:$0x3], $0xC000, $0x38;
	[tilespmem:$0x18080] =	vst v63  }
0xc9: {  	_ =	swait.ge [sflag:s30], $0xC000  }
0xca: {  	[sflag:s30] =	ssyncset.done $0x0  }
0xcb: {  	s10 =	rddreg [dreg:$0x6];
	[sflag:s30] =	ssyncadd.s32 $0xFFFF4000  }
0xcc: {  	[hbm4b:s10+s3] =	stream.linear.scatter [tilespmem:s9], [sflag:$0x4], $0xC000, $0x38;
	[tilespmem:$0x18080] =	vst v63  }
0xcd: {  	p0 =	sne.s32 s6, $0x1;
	_ =	swait.ge [sflag:s31], $0xC000  }
.Ltmp0:
0xce: {  	[sflag:s31] =	ssyncset.done $0x0;
	(pc) =	sbr.rel @p0 .LBB2_1-.Ltmp0, $4  }
0xcf: {  	[sflag:s31] =	ssyncadd.s32 $0xFFFF4000  }
0xd0: {  	_ =	swait.ge [sflag:s2], $0xC000  }
0xd1: {  	[sflag:s2] =	ssyncset.done $0x0  }
0xd2: {  	s6 =	sadd.s32 $0xFFFFFFFF, s6;
	[sflag:s2] =	ssyncadd.s32 $0xFFFF4000  }
0xd3: {  	_ =	sfence.sel $0x180000  }
0xd4: {  	[bflag:$0x0] =	sbarrier.arrive $0xFFFF  }
0xd5: {  	_ =	strace $0x90000047  }
0xd6: {  	s0 =	stileid.u32;
	[bflag:$0x2] =	sbarrier.arrive $0xFFFF  }
0xd7: {  	p0 =	sne.s32 s0, $0x0;
	s0 =	rddreg [dreg:$0x3]  }
0xd8: {  	s0 =	sadd.s32 @!p0 $0x100000, s0  }
0xd9: {  	[sflag:s0] =	ssyncadd.tile.s32 @!p0 $0x1;
	_ =	shalt  }
.Lfunc_end2:
_tile_overlayer_lowered:
.L_overlay_start_2:
0xda: {  	(tag) =	ssettag $0x2  }
0xdb: {  	s0 =	rddreg [dreg:$0x0];
	s2 =	stileid.u32  }
0xdc: {  	s1 =	rddreg [dreg:$0x1];
	p0 =	sne.s32 s2, $0x0  }
0xdd: {  	s3 =	rddreg [dreg:$0x2];
	[bflag:$0x3] =	sbarrier.arrive $0xFFFF;
	s2 =	simm.s32 @!p0 $0x1C05  }
0xde: {  	[timem:s3], [sflag:s2] =	dma.local @!p0 [hbm:s0], s1  }
0xdf: {  	s0 =	simm.s32 @!p0 $0x5  }
0xe0: {  	_ =	swait.ge @!p0 [sflag:s0], s1  }
0xe1: {  	s1 =	ssub.s32 @!p0 $0x0, s1;
	[sflag:s0] =	ssyncset.done @!p0 $0x0  }
0xe2: {  	[sflag:s0] =	ssyncadd.s32 @!p0 s1  }
0xe3: {  	[bflag:$0x3] =	sbarrier.arrive $0xFFFF  }
0xe4: {  	_ =	shalt  }

</sc_bundles>
